<compile_context>
chip_gen: v7x
topology: tpu7x:2x2x1
jax: 0.10.2.dev20260603
libtpu: 0.0.44.dev20260713+nightly
codegen_flags: <defaults>
</compile_context>

<pallas_src>
import jax
import jax.numpy as jnp
from jax import lax
from jax.experimental import pallas as pl
from jax.experimental.pallas import tpu as pltpu
from jax.experimental.pallas import tpu_sc as plsc

_B, _S, _V = 1024, 50, 999
_NC, _NS, _L = 2, 16, 16
_NW = _NC * _NS
_XPW = _B // _NW
_IPB = _S
_IDX_GROUPS = (_IPB + _L - 1) // _L
_NBATCH = _XPW
_IDX_PAD = _NBATCH * _IPB + _L


def _scatter_batch(buf, idx_v, b, value):
    for g in range(_IDX_GROUPS):
        base = g * _L
        k = lax.broadcasted_iota(jnp.int32, (_L,), 0) + base
        v = idx_v[pl.ds(b * _IPB + base, _L)]
        zero = jnp.zeros((_L,), jnp.int32)
        col = v - 1
        mask = (k < _IPB) & (v >= 1)
        plsc.store_scatter(buf, [zero, k, col],
                           jnp.full((_L,), value, jnp.float32), mask=mask)


def _body(x_hbm, out_hbm, idx_v, buf0, buf1, sem0, sem1):
    wid = lax.axis_index("s") * _NC + lax.axis_index("c")
    row0 = wid * _XPW

    pltpu.sync_copy(x_hbm.at[pl.ds(row0 * _S, _XPW * _S)],
                    idx_v.at[pl.ds(0, _XPW * _S)])

    zeros = jnp.zeros((_L,), jnp.float32)

    def _zero_seg(r, _):
        for c in range(0, _V, _L):
            buf0[0, r, pl.ds(min(c, _V - _L), _L)] = zeros
            buf1[0, r, pl.ds(min(c, _V - _L), _L)] = zeros
        return 0

    lax.fori_loop(0, _S, _zero_seg, 0)

    def _step(buf, sem, b):
        @pl.when(b >= 2)
        def _():
            pltpu.make_async_copy(
                buf, out_hbm.at[pl.ds(row0 + b - 2, 1)], sem).wait()
            _scatter_batch(buf, idx_v, b - 2, 0.0)

        _scatter_batch(buf, idx_v, b, 1.0)
        pltpu.make_async_copy(
            buf, out_hbm.at[pl.ds(row0 + b, 1)], sem).start()

    def _loop(g, _):
        _step(buf0, sem0, 2 * g)
        _step(buf1, sem1, 2 * g + 1)
        return 0

    lax.fori_loop(0, _NBATCH // 2, _loop, 0)

    pltpu.make_async_copy(
        buf0, out_hbm.at[pl.ds(row0 + _NBATCH - 2, 1)], sem0).wait()
    pltpu.make_async_copy(
        buf1, out_hbm.at[pl.ds(row0 + _NBATCH - 1, 1)], sem1).wait()


def kernel(x):
    xf = x.reshape(-1)
    mesh = plsc.VectorSubcoreMesh(core_axis_name="c", subcore_axis_name="s",
                                  num_cores=_NC, num_subcores=_NS)
    return pl.kernel(
        _body,
        out_type=jax.ShapeDtypeStruct((_B, _S, _V), jnp.float32),
        mesh=mesh,
        compiler_params=pltpu.CompilerParams(needs_layout_passes=False),
        scratch_types=[
            pltpu.VMEM((_IDX_PAD,), jnp.int32),
            pltpu.VMEM((1, _S, _V), jnp.float32),
            pltpu.VMEM((1, _S, _V), jnp.float32),
            pltpu.SemaphoreType.DMA,
            pltpu.SemaphoreType.DMA,
        ],
    )(xf)

# --- scband reference (transcript-rebuilt; emitter-appended) ---
"""Pipeline reference for scband-onehot-embedding-68951404970631 (READ-ONLY COPY).

The authoritative reference and input builder live on the scoring server;
editing this copy changes nothing except your own understanding.
"""

import jax, jax.numpy as jnp
import numpy as np

WORD_NUMBER = 1000

def setup_inputs(seed: int = 0) -> dict:
    key = jax.random.key(seed)
    x = jax.random.randint(key, (1024, 50), 0, WORD_NUMBER, dtype=jnp.int64 if jax.config.jax_enable_x64 else jnp.int32)
    return {"x": x}

def reference(x) -> jnp.ndarray:
    # F.one_hot(x, word_number).float()[:, :, 1:]
    emb = jax.nn.one_hot(x, WORD_NUMBER, dtype=jnp.float32)
    return emb[:, :, 1:]

if __name__ == "__main__":
    import jax
    _d = setup_inputs()
    print(jax.jit(kernel)(*tuple(_d.values())))

</pallas_src>

<mosaic_0001>
#map = affine_map<(d0, d1) -> (0)>
#map1 = affine_map<(d0, d1) -> (0, 0, 0)>
module attributes {stable_mosaic.version = 14 : i64} {
  func.func @_body(%arg0: i32, %arg1: i32, %arg2: memref<51200xi32, #tpu.memory_space<hbm>>, %arg3: memref<1024x50x999xf32, #tpu.memory_space<hbm>>, %arg4: memref<1616xi32, #tpu.memory_space<vmem>>, %arg5: memref<1x50x999xf32, #tpu.memory_space<vmem>>, %arg6: memref<1x50x999xf32, #tpu.memory_space<vmem>>, %arg7: memref<!tpu.dma_semaphore, #tpu.memory_space<semaphore_mem>>, %arg8: memref<!tpu.dma_semaphore, #tpu.memory_space<semaphore_mem>>) attributes {dimension_semantics = [#tpu.dimension_semantics<core_parallel>, #tpu.dimension_semantics<subcore_parallel>], iteration_bounds = array<i64: 2, 16>, scalar_prefetch = 0 : i64, scratch_operands = 5 : i64, tpu.core_type = #tpu.core_type<sc_vector_subcore>, window_params = [{transform_indices = #map}, {transform_indices = #map1}]} {
    %mul3A = arith.constant 2 : i32
    %mul3A_0 = arith.muli %arg1, %mul3A : i32
    %add3A = arith.addi %mul3A_0, %arg0 : i32
    %mul3A_1 = arith.constant 32 : i32
    %mul3A_2 = arith.muli %add3A, %mul3A_1 : i32
    %mul3A_3 = arith.constant 50 : i32
    %mul3A_4 = arith.muli %mul3A_2, %mul3A_3 : i32
    "tpu.region"() ({
      %run_scoped3A = tpu.sem_alloc : memref<!tpu.dma_semaphore, #tpu.memory_space<semaphore_mem>>
      %dma_start3A = arith.constant 0 : i32
      %dma_start3A_37 = tpu.memref_slice %arg4[%dma_start3A] : memref<1616xi32, #tpu.memory_space<vmem>> -> memref<1600xi32, #tpu.memory_space<vmem>>
      %dma_start3A_38 = tpu.memref_slice %arg2[%mul3A_4] : memref<51200xi32, #tpu.memory_space<hbm>> -> memref<1600xi32, #tpu.memory_space<hbm>>
      %dma_start3A_39 = arith.constant 0 : i32
      %dma_start3A_40 = tpu.memref_slice %arg4[%dma_start3A_39] : memref<1616xi32, #tpu.memory_space<vmem>> -> memref<1600xi32, #tpu.memory_space<vmem>>
      %dma_start3A_41 = tpu.memref_slice %arg2[%mul3A_4] : memref<51200xi32, #tpu.memory_space<hbm>> -> memref<1600xi32, #tpu.memory_space<hbm>>
      tpu.enqueue_dma source(%dma_start3A_41 : memref<1600xi32, #tpu.memory_space<hbm>>) target(%dma_start3A_40 : memref<1600xi32, #tpu.memory_space<vmem>>) target_semaphore(%run_scoped3A : memref<!tpu.dma_semaphore, #tpu.memory_space<semaphore_mem>>)
      %dma_wait3A_42 = arith.constant 0 : i32
      %dma_wait3A_43 = tpu.memref_slice %arg4[%dma_wait3A_42] : memref<1616xi32, #tpu.memory_space<vmem>> -> memref<1600xi32, #tpu.memory_space<vmem>>
      %dma_wait3A_44 = tpu.memref_slice %arg2[%mul3A_4] : memref<51200xi32, #tpu.memory_space<hbm>> -> memref<1600xi32, #tpu.memory_space<hbm>>
      %dma_wait3A_45 = arith.constant 0 : i32
      %dma_wait3A_46 = tpu.memref_slice %arg4[%dma_wait3A_45] : memref<1616xi32, #tpu.memory_space<vmem>> -> memref<1600xi32, #tpu.memory_space<vmem>>
      %dma_wait3A_47 = tpu.memref_slice %arg2[%mul3A_4] : memref<51200xi32, #tpu.memory_space<hbm>> -> memref<1600xi32, #tpu.memory_space<hbm>>
      tpu.wait_dma2 semaphore(%run_scoped3A : memref<!tpu.dma_semaphore, #tpu.memory_space<semaphore_mem>>) src(%dma_wait3A_47 : memref<1600xi32, #tpu.memory_space<hbm>>) dst(%dma_wait3A_46 : memref<1600xi32, #tpu.memory_space<vmem>>)
      tpu.yield
    }) : () -> ()
    %broadcast_in_dim3A = arith.constant 0.000000e+00 : f32
    %broadcast_in_dim3A_5 = vector.broadcast %broadcast_in_dim3A : f32 to vector<16xf32>
    %scan3A = arith.constant 0 : i32
    %scan3A_6 = arith.constant 0 : i32
    %scan3A_7 = arith.constant 50 : i32
    %scan3A_8 = arith.addi %scan3A_6, %scan3A_7 : i32
    %scan3A_9 = arith.constant 1 : i32
    %scan3A_10 = scf.for %scan3A_37 = %scan3A_6 to %scan3A_8 step %scan3A_9 iter_args(%scan3A_38 = %scan3A) -> (i32)  : i32 {
      %swap3A = arith.constant 0 : i32
      %swap3A_39 = arith.index_cast %swap3A : i32 to index
      %swap3A_40 = arith.index_cast %scan3A_37 : i32 to index
      %swap3A_41 = arith.constant 0 : index
      %swap3A_42 = tpu.vector_load %arg5[%swap3A_39, %swap3A_40, %swap3A_41] {strides = array<i32>} : memref<1x50x999xf32, #tpu.memory_space<vmem>>, vector<16xf32>,
      tpu.vector_store %arg5[%swap3A_39, %swap3A_40, %swap3A_41], %broadcast_in_dim3A_5 {strides = array<i32>} : memref<1x50x999xf32, #tpu.memory_space<vmem>>, vector<16xf32>,
      %swap3A_43 = arith.constant 0 : i32
      %swap3A_44 = arith.index_cast %swap3A_43 : i32 to index
      %swap3A_45 = arith.index_cast %scan3A_37 : i32 to index
      %swap3A_46 = arith.constant 0 : index
      %swap3A_47 = tpu.vector_load %arg6[%swap3A_44, %swap3A_45, %swap3A_46] {strides = array<i32>} : memref<1x50x999xf32, #tpu.memory_space<vmem>>, vector<16xf32>,
      tpu.vector_store %arg6[%swap3A_44, %swap3A_45, %swap3A_46], %broadcast_in_dim3A_5 {strides = array<i32>} : memref<1x50x999xf32, #tpu.memory_space<vmem>>, vector<16xf32>,
      %swap3A_48 = arith.constant 0 : i32
      %swap3A_49 = arith.index_cast %swap3A_48 : i32 to index
      %swap3A_50 = arith.index_cast %scan3A_37 : i32 to index
      %swap3A_51 = arith.constant 16 : index
      %swap3A_52 = tpu.vector_load %arg5[%swap3A_49, %swap3A_50, %swap3A_51] {strides = array<i32>} : memref<1x50x999xf32, #tpu.memory_space<vmem>>, vector<16xf32>,
      tpu.vector_store %arg5[%swap3A_49, %swap3A_50, %swap3A_51], %broadcast_in_dim3A_5 {strides = array<i32>} : memref<1x50x999xf32, #tpu.memory_space<vmem>>, vector<16xf32>,
      %swap3A_53 = arith.constant 0 : i32
      %swap3A_54 = arith.index_cast %swap3A_53 : i32 to index
      %swap3A_55 = arith.index_cast %scan3A_37 : i32 to index
      %swap3A_56 = arith.constant 16 : index
      %swap3A_57 = tpu.vector_load %arg6[%swap3A_54, %swap3A_55, %swap3A_56] {strides = array<i32>} : memref<1x50x999xf32, #tpu.memory_space<vmem>>, vector<16xf32>,
      tpu.vector_store %arg6[%swap3A_54, %swap3A_55, %swap3A_56], %broadcast_in_dim3A_5 {strides = array<i32>} : memref<1x50x999xf32, #tpu.memory_space<vmem>>, vector<16xf32>,
      %swap3A_58 = arith.constant 0 : i32
      %swap3A_59 = arith.index_cast %swap3A_58 : i32 to index
      %swap3A_60 = arith.index_cast %scan3A_37 : i32 to index
      %swap3A_61 = arith.constant 32 : index
      %swap3A_62 = tpu.vector_load %arg5[%swap3A_59, %swap3A_60, %swap3A_61] {strides = array<i32>} : memref<1x50x999xf32, #tpu.memory_space<vmem>>, vector<16xf32>,
      tpu.vector_store %arg5[%swap3A_59, %swap3A_60, %swap3A_61], %broadcast_in_dim3A_5 {strides = array<i32>} : memref<1x50x999xf32, #tpu.memory_space<vmem>>, vector<16xf32>,
      %swap3A_63 = arith.constant 0 : i32
      %swap3A_64 = arith.index_cast %swap3A_63 : i32 to index
      %swap3A_65 = arith.index_cast %scan3A_37 : i32 to index
      %swap3A_66 = arith.constant 32 : index
      %swap3A_67 = tpu.vector_load %arg6[%swap3A_64, %swap3A_65, %swap3A_66] {strides = array<i32>} : memref<1x50x999xf32, #tpu.memory_space<vmem>>, vector<16xf32>,
      tpu.vector_store %arg6[%swap3A_64, %swap3A_65, %swap3A_66], %broadcast_in_dim3A_5 {strides = array<i32>} : memref<1x50x999xf32, #tpu.memory_space<vmem>>, vector<16xf32>,
      %swap3A_68 = arith.constant 0 : i32
      %swap3A_69 = arith.index_cast %swap3A_68 : i32 to index
      %swap3A_70 = arith.index_cast %scan3A_37 : i32 to index
      %swap3A_71 = arith.constant 48 : index
      %swap3A_72 = tpu.vector_load %arg5[%swap3A_69, %swap3A_70, %swap3A_71] {strides = array<i32>} : memref<1x50x999xf32, #tpu.memory_space<vmem>>, vector<16xf32>,
      tpu.vector_store %arg5[%swap3A_69, %swap3A_70, %swap3A_71], %broadcast_in_dim3A_5 {strides = array<i32>} : memref<1x50x999xf32, #tpu.memory_space<vmem>>, vector<16xf32>,
      %swap3A_73 = arith.constant 0 : i32
      %swap3A_74 = arith.index_cast %swap3A_73 : i32 to index
      %swap3A_75 = arith.index_cast %scan3A_37 : i32 to index
      %swap3A_76 = arith.constant 48 : index
      %swap3A_77 = tpu.vector_load %arg6[%swap3A_74, %swap3A_75, %swap3A_76] {strides = array<i32>} : memref<1x50x999xf32, #tpu.memory_space<vmem>>, vector<16xf32>,
      tpu.vector_store %arg6[%swap3A_74, %swap3A_75, %swap3A_76], %broadcast_in_dim3A_5 {strides = array<i32>} : memref<1x50x999xf32, #tpu.memory_space<vmem>>, vector<16xf32>,
      %swap3A_78 = arith.constant 0 : i32
      %swap3A_79 = arith.index_cast %swap3A_78 : i32 to index
      %swap3A_80 = arith.index_cast %scan3A_37 : i32 to index
      %swap3A_81 = arith.constant 64 : index
      %swap3A_82 = tpu.vector_load %arg5[%swap3A_79, %swap3A_80, %swap3A_81] {strides = array<i32>} : memref<1x50x999xf32, #tpu.memory_space<vmem>>, vector<16xf32>,
      tpu.vector_store %arg5[%swap3A_79, %swap3A_80, %swap3A_81], %broadcast_in_dim3A_5 {strides = array<i32>} : memref<1x50x999xf32, #tpu.memory_space<vmem>>, vector<16xf32>,
      %swap3A_83 = arith.constant 0 : i32
      %swap3A_84 = arith.index_cast %swap3A_83 : i32 to index
      %swap3A_85 = arith.index_cast %scan3A_37 : i32 to index
      %swap3A_86 = arith.constant 64 : index
      %swap3A_87 = tpu.vector_load %arg6[%swap3A_84, %swap3A_85, %swap3A_86] {strides = array<i32>} : memref<1x50x999xf32, #tpu.memory_space<vmem>>, vector<16xf32>,
      tpu.vector_store %arg6[%swap3A_84, %swap3A_85, %swap3A_86], %broadcast_in_dim3A_5 {strides = array<i32>} : memref<1x50x999xf32, #tpu.memory_space<vmem>>, vector<16xf32>,
      %swap3A_88 = arith.constant 0 : i32
      %swap3A_89 = arith.index_cast %swap3A_88 : i32 to index
      %swap3A_90 = arith.index_cast %scan3A_37 : i32 to index
      %swap3A_91 = arith.constant 80 : index
      %swap3A_92 = tpu.vector_load %arg5[%swap3A_89, %swap3A_90, %swap3A_91] {strides = array<i32>} : memref<1x50x999xf32, #tpu.memory_space<vmem>>, vector<16xf32>,
      tpu.vector_store %arg5[%swap3A_89, %swap3A_90, %swap3A_91], %broadcast_in_dim3A_5 {strides = array<i32>} : memref<1x50x999xf32, #tpu.memory_space<vmem>>, vector<16xf32>,
      %swap3A_93 = arith.constant 0 : i32
      %swap3A_94 = arith.index_cast %swap3A_93 : i32 to index
      %swap3A_95 = arith.index_cast %scan3A_37 : i32 to index
      %swap3A_96 = arith.constant 80 : index
      %swap3A_97 = tpu.vector_load %arg6[%swap3A_94, %swap3A_95, %swap3A_96] {strides = array<i32>} : memref<1x50x999xf32, #tpu.memory_space<vmem>>, vector<16xf32>,
      tpu.vector_store %arg6[%swap3A_94, %swap3A_95, %swap3A_96], %broadcast_in_dim3A_5 {strides = array<i32>} : memref<1x50x999xf32, #tpu.memory_space<vmem>>, vector<16xf32>,
      %swap3A_98 = arith.constant 0 : i32
      %swap3A_99 = arith.index_cast %swap3A_98 : i32 to index
      %swap3A_100 = arith.index_cast %scan3A_37 : i32 to index
      %swap3A_101 = arith.constant 96 : index
      %swap3A_102 = tpu.vector_load %arg5[%swap3A_99, %swap3A_100, %swap3A_101] {strides = array<i32>} : memref<1x50x999xf32, #tpu.memory_space<vmem>>, vector<16xf32>,
      tpu.vector_store %arg5[%swap3A_99, %swap3A_100, %swap3A_101], %broadcast_in_dim3A_5 {strides = array<i32>} : memref<1x50x999xf32, #tpu.memory_space<vmem>>, vector<16xf32>,
      %swap3A_103 = arith.constant 0 : i32
      %swap3A_104 = arith.index_cast %swap3A_103 : i32 to index
      %swap3A_105 = arith.index_cast %scan3A_37 : i32 to index
      %swap3A_106 = arith.constant 96 : index
      %swap3A_107 = tpu.vector_load %arg6[%swap3A_104, %swap3A_105, %swap3A_106] {strides = array<i32>} : memref<1x50x999xf32, #tpu.memory_space<vmem>>, vector<16xf32>,
      tpu.vector_store %arg6[%swap3A_104, %swap3A_105, %swap3A_106], %broadcast_in_dim3A_5 {strides = array<i32>} : memref<1x50x999xf32, #tpu.memory_space<vmem>>, vector<16xf32>,
      %swap3A_108 = arith.constant 0 : i32
      %swap3A_109 = arith.index_cast %swap3A_108 : i32 to index
      %swap3A_110 = arith.index_cast %scan3A_37 : i32 to index
      %swap3A_111 = arith.constant 112 : index
      %swap3A_112 = tpu.vector_load %arg5[%swap3A_109, %swap3A_110, %swap3A_111] {strides = array<i32>} : memref<1x50x999xf32, #tpu.memory_space<vmem>>, vector<16xf32>,
      tpu.vector_store %arg5[%swap3A_109, %swap3A_110, %swap3A_111], %broadcast_in_dim3A_5 {strides = array<i32>} : memref<1x50x999xf32, #tpu.memory_space<vmem>>, vector<16xf32>,
      %swap3A_113 = arith.constant 0 : i32
      %swap3A_114 = arith.index_cast %swap3A_113 : i32 to index
      %swap3A_115 = arith.index_cast %scan3A_37 : i32 to index
      %swap3A_116 = arith.constant 112 : index
      %swap3A_117 = tpu.vector_load %arg6[%swap3A_114, %swap3A_115, %swap3A_116] {strides = array<i32>} : memref<1x50x999xf32, #tpu.memory_space<vmem>>, vector<16xf32>,
      tpu.vector_store %arg6[%swap3A_114, %swap3A_115, %swap3A_116], %broadcast_in_dim3A_5 {strides = array<i32>} : memref<1x50x999xf32, #tpu.memory_space<vmem>>, vector<16xf32>,
      %swap3A_118 = arith.constant 0 : i32
      %swap3A_119 = arith.index_cast %swap3A_118 : i32 to index
      %swap3A_120 = arith.index_cast %scan3A_37 : i32 to index
      %swap3A_121 = arith.constant 128 : index
      %swap3A_122 = tpu.vector_load %arg5[%swap3A_119, %swap3A_120, %swap3A_121] {strides = array<i32>} : memref<1x50x999xf32, #tpu.memory_space<vmem>>, vector<16xf32>,
      tpu.vector_store %arg5[%swap3A_119, %swap3A_120, %swap3A_121], %broadcast_in_dim3A_5 {strides = array<i32>} : memref<1x50x999xf32, #tpu.memory_space<vmem>>, vector<16xf32>,
      %swap3A_123 = arith.constant 0 : i32
      %swap3A_124 = arith.index_cast %swap3A_123 : i32 to index
      %swap3A_125 = arith.index_cast %scan3A_37 : i32 to index
      %swap3A_126 = arith.constant 128 : index
      %swap3A_127 = tpu.vector_load %arg6[%swap3A_124, %swap3A_125, %swap3A_126] {strides = array<i32>} : memref<1x50x999xf32, #tpu.memory_space<vmem>>, vector<16xf32>,
      tpu.vector_store %arg6[%swap3A_124, %swap3A_125, %swap3A_126], %broadcast_in_dim3A_5 {strides = array<i32>} : memref<1x50x999xf32, #tpu.memory_space<vmem>>, vector<16xf32>,
      %swap3A_128 = arith.constant 0 : i32
      %swap3A_129 = arith.index_cast %swap3A_128 : i32 to index
      %swap3A_130 = arith.index_cast %scan3A_37 : i32 to index
      %swap3A_131 = arith.constant 144 : index
      %swap3A_132 = tpu.vector_load %arg5[%swap3A_129, %swap3A_130, %swap3A_131] {strides = array<i32>} : memref<1x50x999xf32, #tpu.memory_space<vmem>>, vector<16xf32>,
      tpu.vector_store %arg5[%swap3A_129, %swap3A_130, %swap3A_131], %broadcast_in_dim3A_5 {strides = array<i32>} : memref<1x50x999xf32, #tpu.memory_space<vmem>>, vector<16xf32>,
      %swap3A_133 = arith.constant 0 : i32
      %swap3A_134 = arith.index_cast %swap3A_133 : i32 to index
      %swap3A_135 = arith.index_cast %scan3A_37 : i32 to index
      %swap3A_136 = arith.constant 144 : index
      %swap3A_137 = tpu.vector_load %arg6[%swap3A_134, %swap3A_135, %swap3A_136] {strides = array<i32>} : memref<1x50x999xf32, #tpu.memory_space<vmem>>, vector<16xf32>,
      tpu.vector_store %arg6[%swap3A_134, %swap3A_135, %swap3A_136], %broadcast_in_dim3A_5 {strides = array<i32>} : memref<1x50x999xf32, #tpu.memory_space<vmem>>, vector<16xf32>,
      %swap3A_138 = arith.constant 0 : i32
      %swap3A_139 = arith.index_cast %swap3A_138 : i32 to index
      %swap3A_140 = arith.index_cast %scan3A_37 : i32 to index
      %swap3A_141 = arith.constant 160 : index
      %swap3A_142 = tpu.vector_load %arg5[%swap3A_139, %swap3A_140, %swap3A_141] {strides = array<i32>} : memref<1x50x999xf32, #tpu.memory_space<vmem>>, vector<16xf32>,
      tpu.vector_store %arg5[%swap3A_139, %swap3A_140, %swap3A_141], %broadcast_in_dim3A_5 {strides = array<i32>} : memref<1x50x999xf32, #tpu.memory_space<vmem>>, vector<16xf32>,
      %swap3A_143 = arith.constant 0 : i32
      %swap3A_144 = arith.index_cast %swap3A_143 : i32 to index
      %swap3A_145 = arith.index_cast %scan3A_37 : i32 to index
      %swap3A_146 = arith.constant 160 : index
      %swap3A_147 = tpu.vector_load %arg6[%swap3A_144, %swap3A_145, %swap3A_146] {strides = array<i32>} : memref<1x50x999xf32, #tpu.memory_space<vmem>>, vector<16xf32>,
      tpu.vector_store %arg6[%swap3A_144, %swap3A_145, %swap3A_146], %broadcast_in_dim3A_5 {strides = array<i32>} : memref<1x50x999xf32, #tpu.memory_space<vmem>>, vector<16xf32>,
      %swap3A_148 = arith.constant 0 : i32
      %swap3A_149 = arith.index_cast %swap3A_148 : i32 to index
      %swap3A_150 = arith.index_cast %scan3A_37 : i32 to index
      %swap3A_151 = arith.constant 176 : index
      %swap3A_152 = tpu.vector_load %arg5[%swap3A_149, %swap3A_150, %swap3A_151] {strides = array<i32>} : memref<1x50x999xf32, #tpu.memory_space<vmem>>, vector<16xf32>,
      tpu.vector_store %arg5[%swap3A_149, %swap3A_150, %swap3A_151], %broadcast_in_dim3A_5 {strides = array<i32>} : memref<1x50x999xf32, #tpu.memory_space<vmem>>, vector<16xf32>,
      %swap3A_153 = arith.constant 0 : i32
      %swap3A_154 = arith.index_cast %swap3A_153 : i32 to index
      %swap3A_155 = arith.index_cast %scan3A_37 : i32 to index
      %swap3A_156 = arith.constant 176 : index
      %swap3A_157 = tpu.vector_load %arg6[%swap3A_154, %swap3A_155, %swap3A_156] {strides = array<i32>} : memref<1x50x999xf32, #tpu.memory_space<vmem>>, vector<16xf32>,
      tpu.vector_store %arg6[%swap3A_154, %swap3A_155, %swap3A_156], %broadcast_in_dim3A_5 {strides = array<i32>} : memref<1x50x999xf32, #tpu.memory_space<vmem>>, vector<16xf32>,
      %swap3A_158 = arith.constant 0 : i32
      %swap3A_159 = arith.index_cast %swap3A_158 : i32 to index
      %swap3A_160 = arith.index_cast %scan3A_37 : i32 to index
      %swap3A_161 = arith.constant 192 : index
      %swap3A_162 = tpu.vector_load %arg5[%swap3A_159, %swap3A_160, %swap3A_161] {strides = array<i32>} : memref<1x50x999xf32, #tpu.memory_space<vmem>>, vector<16xf32>,
      tpu.vector_store %arg5[%swap3A_159, %swap3A_160, %swap3A_161], %broadcast_in_dim3A_5 {strides = array<i32>} : memref<1x50x999xf32, #tpu.memory_space<vmem>>, vector<16xf32>,
      %swap3A_163 = arith.constant 0 : i32
      %swap3A_164 = arith.index_cast %swap3A_163 : i32 to index
      %swap3A_165 = arith.index_cast %scan3A_37 : i32 to index
      %swap3A_166 = arith.constant 192 : index
      %swap3A_167 = tpu.vector_load %arg6[%swap3A_164, %swap3A_165, %swap3A_166] {strides = array<i32>} : memref<1x50x999xf32, #tpu.memory_space<vmem>>, vector<16xf32>,
      tpu.vector_store %arg6[%swap3A_164, %swap3A_165, %swap3A_166], %broadcast_in_dim3A_5 {strides = array<i32>} : memref<1x50x999xf32, #tpu.memory_space<vmem>>, vector<16xf32>,
      %swap3A_168 = arith.constant 0 : i32
      %swap3A_169 = arith.index_cast %swap3A_168 : i32 to index
      %swap3A_170 = arith.index_cast %scan3A_37 : i32 to index
      %swap3A_171 = arith.constant 208 : index
      %swap3A_172 = tpu.vector_load %arg5[%swap3A_169, %swap3A_170, %swap3A_171] {strides = array<i32>} : memref<1x50x999xf32, #tpu.memory_space<vmem>>, vector<16xf32>,
      tpu.vector_store %arg5[%swap3A_169, %swap3A_170, %swap3A_171], %broadcast_in_dim3A_5 {strides = array<i32>} : memref<1x50x999xf32, #tpu.memory_space<vmem>>, vector<16xf32>,
      %swap3A_173 = arith.constant 0 : i32
      %swap3A_174 = arith.index_cast %swap3A_173 : i32 to index
      %swap3A_175 = arith.index_cast %scan3A_37 : i32 to index
      %swap3A_176 = arith.constant 208 : index
      %swap3A_177 = tpu.vector_load %arg6[%swap3A_174, %swap3A_175, %swap3A_176] {strides = array<i32>} : memref<1x50x999xf32, #tpu.memory_space<vmem>>, vector<16xf32>,
      tpu.vector_store %arg6[%swap3A_174, %swap3A_175, %swap3A_176], %broadcast_in_dim3A_5 {strides = array<i32>} : memref<1x50x999xf32, #tpu.memory_space<vmem>>, vector<16xf32>,
      %swap3A_178 = arith.constant 0 : i32
      %swap3A_179 = arith.index_cast %swap3A_178 : i32 to index
      %swap3A_180 = arith.index_cast %scan3A_37 : i32 to index
      %swap3A_181 = arith.constant 224 : index
      %swap3A_182 = tpu.vector_load %arg5[%swap3A_179, %swap3A_180, %swap3A_181] {strides = array<i32>} : memref<1x50x999xf32, #tpu.memory_space<vmem>>, vector<16xf32>,
      tpu.vector_store %arg5[%swap3A_179, %swap3A_180, %swap3A_181], %broadcast_in_dim3A_5 {strides = array<i32>} : memref<1x50x999xf32, #tpu.memory_space<vmem>>, vector<16xf32>,
      %swap3A_183 = arith.constant 0 : i32
      %swap3A_184 = arith.index_cast %swap3A_183 : i32 to index
      %swap3A_185 = arith.index_cast %scan3A_37 : i32 to index
      %swap3A_186 = arith.constant 224 : index
      %swap3A_187 = tpu.vector_load %arg6[%swap3A_184, %swap3A_185, %swap3A_186] {strides = array<i32>} : memref<1x50x999xf32, #tpu.memory_space<vmem>>, vector<16xf32>,
      tpu.vector_store %arg6[%swap3A_184, %swap3A_185, %swap3A_186], %broadcast_in_dim3A_5 {strides = array<i32>} : memref<1x50x999xf32, #tpu.memory_space<vmem>>, vector<16xf32>,
      %swap3A_188 = arith.constant 0 : i32
      %swap3A_189 = arith.index_cast %swap3A_188 : i32 to index
      %swap3A_190 = arith.index_cast %scan3A_37 : i32 to index
      %swap3A_191 = arith.constant 240 : index
      %swap3A_192 = tpu.vector_load %arg5[%swap3A_189, %swap3A_190, %swap3A_191] {strides = array<i32>} : memref<1x50x999xf32, #tpu.memory_space<vmem>>, vector<16xf32>,
      tpu.vector_store %arg5[%swap3A_189, %swap3A_190, %swap3A_191], %broadcast_in_dim3A_5 {strides = array<i32>} : memref<1x50x999xf32, #tpu.memory_space<vmem>>, vector<16xf32>,
      %swap3A_193 = arith.constant 0 : i32
      %swap3A_194 = arith.index_cast %swap3A_193 : i32 to index
      %swap3A_195 = arith.index_cast %scan3A_37 : i32 to index
      %swap3A_196 = arith.constant 240 : index
      %swap3A_197 = tpu.vector_load %arg6[%swap3A_194, %swap3A_195, %swap3A_196] {strides = array<i32>} : memref<1x50x999xf32, #tpu.memory_space<vmem>>, vector<16xf32>,
      tpu.vector_store %arg6[%swap3A_194, %swap3A_195, %swap3A_196], %broadcast_in_dim3A_5 {strides = array<i32>} : memref<1x50x999xf32, #tpu.memory_space<vmem>>, vector<16xf32>,
      %swap3A_198 = arith.constant 0 : i32
      %swap3A_199 = arith.index_cast %swap3A_198 : i32 to index
      %swap3A_200 = arith.index_cast %scan3A_37 : i32 to index
      %swap3A_201 = arith.constant 256 : index
      %swap3A_202 = tpu.vector_load %arg5[%swap3A_199, %swap3A_200, %swap3A_201] {strides = array<i32>} : memref<1x50x999xf32, #tpu.memory_space<vmem>>, vector<16xf32>,
      tpu.vector_store %arg5[%swap3A_199, %swap3A_200, %swap3A_201], %broadcast_in_dim3A_5 {strides = array<i32>} : memref<1x50x999xf32, #tpu.memory_space<vmem>>, vector<16xf32>,
      %swap3A_203 = arith.constant 0 : i32
      %swap3A_204 = arith.index_cast %swap3A_203 : i32 to index
      %swap3A_205 = arith.index_cast %scan3A_37 : i32 to index
      %swap3A_206 = arith.constant 256 : index
      %swap3A_207 = tpu.vector_load %arg6[%swap3A_204, %swap3A_205, %swap3A_206] {strides = array<i32>} : memref<1x50x999xf32, #tpu.memory_space<vmem>>, vector<16xf32>,
      tpu.vector_store %arg6[%swap3A_204, %swap3A_205, %swap3A_206], %broadcast_in_dim3A_5 {strides = array<i32>} : memref<1x50x999xf32, #tpu.memory_space<vmem>>, vector<16xf32>,
      %swap3A_208 = arith.constant 0 : i32
      %swap3A_209 = arith.index_cast %swap3A_208 : i32 to index
      %swap3A_210 = arith.index_cast %scan3A_37 : i32 to index
      %swap3A_211 = arith.constant 272 : index
      %swap3A_212 = tpu.vector_load %arg5[%swap3A_209, %swap3A_210, %swap3A_211] {strides = array<i32>} : memref<1x50x999xf32, #tpu.memory_space<vmem>>, vector<16xf32>,
      tpu.vector_store %arg5[%swap3A_209, %swap3A_210, %swap3A_211], %broadcast_in_dim3A_5 {strides = array<i32>} : memref<1x50x999xf32, #tpu.memory_space<vmem>>, vector<16xf32>,
      %swap3A_213 = arith.constant 0 : i32
      %swap3A_214 = arith.index_cast %swap3A_213 : i32 to index
      %swap3A_215 = arith.index_cast %scan3A_37 : i32 to index
      %swap3A_216 = arith.constant 272 : index
      %swap3A_217 = tpu.vector_load %arg6[%swap3A_214, %swap3A_215, %swap3A_216] {strides = array<i32>} : memref<1x50x999xf32, #tpu.memory_space<vmem>>, vector<16xf32>,
      tpu.vector_store %arg6[%swap3A_214, %swap3A_215, %swap3A_216], %broadcast_in_dim3A_5 {strides = array<i32>} : memref<1x50x999xf32, #tpu.memory_space<vmem>>, vector<16xf32>,
      %swap3A_218 = arith.constant 0 : i32
      %swap3A_219 = arith.index_cast %swap3A_218 : i32 to index
      %swap3A_220 = arith.index_cast %scan3A_37 : i32 to index
      %swap3A_221 = arith.constant 288 : index
      %swap3A_222 = tpu.vector_load %arg5[%swap3A_219, %swap3A_220, %swap3A_221] {strides = array<i32>} : memref<1x50x999xf32, #tpu.memory_space<vmem>>, vector<16xf32>,
      tpu.vector_store %arg5[%swap3A_219, %swap3A_220, %swap3A_221], %broadcast_in_dim3A_5 {strides = array<i32>} : memref<1x50x999xf32, #tpu.memory_space<vmem>>, vector<16xf32>,
      %swap3A_223 = arith.constant 0 : i32
      %swap3A_224 = arith.index_cast %swap3A_223 : i32 to index
      %swap3A_225 = arith.index_cast %scan3A_37 : i32 to index
      %swap3A_226 = arith.constant 288 : index
      %swap3A_227 = tpu.vector_load %arg6[%swap3A_224, %swap3A_225, %swap3A_226] {strides = array<i32>} : memref<1x50x999xf32, #tpu.memory_space<vmem>>, vector<16xf32>,
      tpu.vector_store %arg6[%swap3A_224, %swap3A_225, %swap3A_226], %broadcast_in_dim3A_5 {strides = array<i32>} : memref<1x50x999xf32, #tpu.memory_space<vmem>>, vector<16xf32>,
      %swap3A_228 = arith.constant 0 : i32
      %swap3A_229 = arith.index_cast %swap3A_228 : i32 to index
      %swap3A_230 = arith.index_cast %scan3A_37 : i32 to index
      %swap3A_231 = arith.constant 304 : index
      %swap3A_232 = tpu.vector_load %arg5[%swap3A_229, %swap3A_230, %swap3A_231] {strides = array<i32>} : memref<1x50x999xf32, #tpu.memory_space<vmem>>, vector<16xf32>,
      tpu.vector_store %arg5[%swap3A_229, %swap3A_230, %swap3A_231], %broadcast_in_dim3A_5 {strides = array<i32>} : memref<1x50x999xf32, #tpu.memory_space<vmem>>, vector<16xf32>,
      %swap3A_233 = arith.constant 0 : i32
      %swap3A_234 = arith.index_cast %swap3A_233 : i32 to index
      %swap3A_235 = arith.index_cast %scan3A_37 : i32 to index
      %swap3A_236 = arith.constant 304 : index
      %swap3A_237 = tpu.vector_load %arg6[%swap3A_234, %swap3A_235, %swap3A_236] {strides = array<i32>} : memref<1x50x999xf32, #tpu.memory_space<vmem>>, vector<16xf32>,
      tpu.vector_store %arg6[%swap3A_234, %swap3A_235, %swap3A_236], %broadcast_in_dim3A_5 {strides = array<i32>} : memref<1x50x999xf32, #tpu.memory_space<vmem>>, vector<16xf32>,
      %swap3A_238 = arith.constant 0 : i32
      %swap3A_239 = arith.index_cast %swap3A_238 : i32 to index
      %swap3A_240 = arith.index_cast %scan3A_37 : i32 to index
      %swap3A_241 = arith.constant 320 : index
      %swap3A_242 = tpu.vector_load %arg5[%swap3A_239, %swap3A_240, %swap3A_241] {strides = array<i32>} : memref<1x50x999xf32, #tpu.memory_space<vmem>>, vector<16xf32>,
      tpu.vector_store %arg5[%swap3A_239, %swap3A_240, %swap3A_241], %broadcast_in_dim3A_5 {strides = array<i32>} : memref<1x50x999xf32, #tpu.memory_space<vmem>>, vector<16xf32>,
      %swap3A_243 = arith.constant 0 : i32
      %swap3A_244 = arith.index_cast %swap3A_243 : i32 to index
      %swap3A_245 = arith.index_cast %scan3A_37 : i32 to index
      %swap3A_246 = arith.constant 320 : index
      %swap3A_247 = tpu.vector_load %arg6[%swap3A_244, %swap3A_245, %swap3A_246] {strides = array<i32>} : memref<1x50x999xf32, #tpu.memory_space<vmem>>, vector<16xf32>,
      tpu.vector_store %arg6[%swap3A_244, %swap3A_245, %swap3A_246], %broadcast_in_dim3A_5 {strides = array<i32>} : memref<1x50x999xf32, #tpu.memory_space<vmem>>, vector<16xf32>,
      %swap3A_248 = arith.constant 0 : i32
      %swap3A_249 = arith.index_cast %swap3A_248 : i32 to index
      %swap3A_250 = arith.index_cast %scan3A_37 : i32 to index
      %swap3A_251 = arith.constant 336 : index
      %swap3A_252 = tpu.vector_load %arg5[%swap3A_249, %swap3A_250, %swap3A_251] {strides = array<i32>} : memref<1x50x999xf32, #tpu.memory_space<vmem>>, vector<16xf32>,
      tpu.vector_store %arg5[%swap3A_249, %swap3A_250, %swap3A_251], %broadcast_in_dim3A_5 {strides = array<i32>} : memref<1x50x999xf32, #tpu.memory_space<vmem>>, vector<16xf32>,
      %swap3A_253 = arith.constant 0 : i32
      %swap3A_254 = arith.index_cast %swap3A_253 : i32 to index
      %swap3A_255 = arith.index_cast %scan3A_37 : i32 to index
      %swap3A_256 = arith.constant 336 : index
      %swap3A_257 = tpu.vector_load %arg6[%swap3A_254, %swap3A_255, %swap3A_256] {strides = array<i32>} : memref<1x50x999xf32, #tpu.memory_space<vmem>>, vector<16xf32>,
      tpu.vector_store %arg6[%swap3A_254, %swap3A_255, %swap3A_256], %broadcast_in_dim3A_5 {strides = array<i32>} : memref<1x50x999xf32, #tpu.memory_space<vmem>>, vector<16xf32>,
      %swap3A_258 = arith.constant 0 : i32
      %swap3A_259 = arith.index_cast %swap3A_258 : i32 to index
      %swap3A_260 = arith.index_cast %scan3A_37 : i32 to index
      %swap3A_261 = arith.constant 352 : index
      %swap3A_262 = tpu.vector_load %arg5[%swap3A_259, %swap3A_260, %swap3A_261] {strides = array<i32>} : memref<1x50x999xf32, #tpu.memory_space<vmem>>, vector<16xf32>,
      tpu.vector_store %arg5[%swap3A_259, %swap3A_260, %swap3A_261], %broadcast_in_dim3A_5 {strides = array<i32>} : memref<1x50x999xf32, #tpu.memory_space<vmem>>, vector<16xf32>,
      %swap3A_263 = arith.constant 0 : i32
      %swap3A_264 = arith.index_cast %swap3A_263 : i32 to index
      %swap3A_265 = arith.index_cast %scan3A_37 : i32 to index
      %swap3A_266 = arith.constant 352 : index
      %swap3A_267 = tpu.vector_load %arg6[%swap3A_264, %swap3A_265, %swap3A_266] {strides = array<i32>} : memref<1x50x999xf32, #tpu.memory_space<vmem>>, vector<16xf32>,
      tpu.vector_store %arg6[%swap3A_264, %swap3A_265, %swap3A_266], %broadcast_in_dim3A_5 {strides = array<i32>} : memref<1x50x999xf32, #tpu.memory_space<vmem>>, vector<16xf32>,
      %swap3A_268 = arith.constant 0 : i32
      %swap3A_269 = arith.index_cast %swap3A_268 : i32 to index
      %swap3A_270 = arith.index_cast %scan3A_37 : i32 to index
      %swap3A_271 = arith.constant 368 : index
      %swap3A_272 = tpu.vector_load %arg5[%swap3A_269, %swap3A_270, %swap3A_271] {strides = array<i32>} : memref<1x50x999xf32, #tpu.memory_space<vmem>>, vector<16xf32>,
      tpu.vector_store %arg5[%swap3A_269, %swap3A_270, %swap3A_271], %broadcast_in_dim3A_5 {strides = array<i32>} : memref<1x50x999xf32, #tpu.memory_space<vmem>>, vector<16xf32>,
      %swap3A_273 = arith.constant 0 : i32
      %swap3A_274 = arith.index_cast %swap3A_273 : i32 to index
      %swap3A_275 = arith.index_cast %scan3A_37 : i32 to index
      %swap3A_276 = arith.constant 368 : index
      %swap3A_277 = tpu.vector_load %arg6[%swap3A_274, %swap3A_275, %swap3A_276] {strides = array<i32>} : memref<1x50x999xf32, #tpu.memory_space<vmem>>, vector<16xf32>,
      tpu.vector_store %arg6[%swap3A_274, %swap3A_275, %swap3A_276], %broadcast_in_dim3A_5 {strides = array<i32>} : memref<1x50x999xf32, #tpu.memory_space<vmem>>, vector<16xf32>,
      %swap3A_278 = arith.constant 0 : i32
      %swap3A_279 = arith.index_cast %swap3A_278 : i32 to index
      %swap3A_280 = arith.index_cast %scan3A_37 : i32 to index
      %swap3A_281 = arith.constant 384 : index
      %swap3A_282 = tpu.vector_load %arg5[%swap3A_279, %swap3A_280, %swap3A_281] {strides = array<i32>} : memref<1x50x999xf32, #tpu.memory_space<vmem>>, vector<16xf32>,
      tpu.vector_store %arg5[%swap3A_279, %swap3A_280, %swap3A_281], %broadcast_in_dim3A_5 {strides = array<i32>} : memref<1x50x999xf32, #tpu.memory_space<vmem>>, vector<16xf32>,
      %swap3A_283 = arith.constant 0 : i32
      %swap3A_284 = arith.index_cast %swap3A_283 : i32 to index
      %swap3A_285 = arith.index_cast %scan3A_37 : i32 to index
      %swap3A_286 = arith.constant 384 : index
      %swap3A_287 = tpu.vector_load %arg6[%swap3A_284, %swap3A_285, %swap3A_286] {strides = array<i32>} : memref<1x50x999xf32, #tpu.memory_space<vmem>>, vector<16xf32>,
      tpu.vector_store %arg6[%swap3A_284, %swap3A_285, %swap3A_286], %broadcast_in_dim3A_5 {strides = array<i32>} : memref<1x50x999xf32, #tpu.memory_space<vmem>>, vector<16xf32>,
      %swap3A_288 = arith.constant 0 : i32
      %swap3A_289 = arith.index_cast %swap3A_288 : i32 to index
      %swap3A_290 = arith.index_cast %scan3A_37 : i32 to index
      %swap3A_291 = arith.constant 400 : index
      %swap3A_292 = tpu.vector_load %arg5[%swap3A_289, %swap3A_290, %swap3A_291] {strides = array<i32>} : memref<1x50x999xf32, #tpu.memory_space<vmem>>, vector<16xf32>,
      tpu.vector_store %arg5[%swap3A_289, %swap3A_290, %swap3A_291], %broadcast_in_dim3A_5 {strides = array<i32>} : memref<1x50x999xf32, #tpu.memory_space<vmem>>, vector<16xf32>,
      %swap3A_293 = arith.constant 0 : i32
      %swap3A_294 = arith.index_cast %swap3A_293 : i32 to index
      %swap3A_295 = arith.index_cast %scan3A_37 : i32 to index
      %swap3A_296 = arith.constant 400 : index
      %swap3A_297 = tpu.vector_load %arg6[%swap3A_294, %swap3A_295, %swap3A_296] {strides = array<i32>} : memref<1x50x999xf32, #tpu.memory_space<vmem>>, vector<16xf32>,
      tpu.vector_store %arg6[%swap3A_294, %swap3A_295, %swap3A_296], %broadcast_in_dim3A_5 {strides = array<i32>} : memref<1x50x999xf32, #tpu.memory_space<vmem>>, vector<16xf32>,
      %swap3A_298 = arith.constant 0 : i32
      %swap3A_299 = arith.index_cast %swap3A_298 : i32 to index
      %swap3A_300 = arith.index_cast %scan3A_37 : i32 to index
      %swap3A_301 = arith.constant 416 : index
      %swap3A_302 = tpu.vector_load %arg5[%swap3A_299, %swap3A_300, %swap3A_301] {strides = array<i32>} : memref<1x50x999xf32, #tpu.memory_space<vmem>>, vector<16xf32>,
      tpu.vector_store %arg5[%swap3A_299, %swap3A_300, %swap3A_301], %broadcast_in_dim3A_5 {strides = array<i32>} : memref<1x50x999xf32, #tpu.memory_space<vmem>>, vector<16xf32>,
      %swap3A_303 = arith.constant 0 : i32
      %swap3A_304 = arith.index_cast %swap3A_303 : i32 to index
      %swap3A_305 = arith.index_cast %scan3A_37 : i32 to index
      %swap3A_306 = arith.constant 416 : index
      %swap3A_307 = tpu.vector_load %arg6[%swap3A_304, %swap3A_305, %swap3A_306] {strides = array<i32>} : memref<1x50x999xf32, #tpu.memory_space<vmem>>, vector<16xf32>,
      tpu.vector_store %arg6[%swap3A_304, %swap3A_305, %swap3A_306], %broadcast_in_dim3A_5 {strides = array<i32>} : memref<1x50x999xf32, #tpu.memory_space<vmem>>, vector<16xf32>,
      %swap3A_308 = arith.constant 0 : i32
      %swap3A_309 = arith.index_cast %swap3A_308 : i32 to index
      %swap3A_310 = arith.index_cast %scan3A_37 : i32 to index
      %swap3A_311 = arith.constant 432 : index
      %swap3A_312 = tpu.vector_load %arg5[%swap3A_309, %swap3A_310, %swap3A_311] {strides = array<i32>} : memref<1x50x999xf32, #tpu.memory_space<vmem>>, vector<16xf32>,
      tpu.vector_store %arg5[%swap3A_309, %swap3A_310, %swap3A_311], %broadcast_in_dim3A_5 {strides = array<i32>} : memref<1x50x999xf32, #tpu.memory_space<vmem>>, vector<16xf32>,
      %swap3A_313 = arith.constant 0 : i32
      %swap3A_314 = arith.index_cast %swap3A_313 : i32 to index
      %swap3A_315 = arith.index_cast %scan3A_37 : i32 to index
      %swap3A_316 = arith.constant 432 : index
      %swap3A_317 = tpu.vector_load %arg6[%swap3A_314, %swap3A_315, %swap3A_316] {strides = array<i32>} : memref<1x50x999xf32, #tpu.memory_space<vmem>>, vector<16xf32>,
      tpu.vector_store %arg6[%swap3A_314, %swap3A_315, %swap3A_316], %broadcast_in_dim3A_5 {strides = array<i32>} : memref<1x50x999xf32, #tpu.memory_space<vmem>>, vector<16xf32>,
      %swap3A_318 = arith.constant 0 : i32
      %swap3A_319 = arith.index_cast %swap3A_318 : i32 to index
      %swap3A_320 = arith.index_cast %scan3A_37 : i32 to index
      %swap3A_321 = arith.constant 448 : index
      %swap3A_322 = tpu.vector_load %arg5[%swap3A_319, %swap3A_320, %swap3A_321] {strides = array<i32>} : memref<1x50x999xf32, #tpu.memory_space<vmem>>, vector<16xf32>,
      tpu.vector_store %arg5[%swap3A_319, %swap3A_320, %swap3A_321], %broadcast_in_dim3A_5 {strides = array<i32>} : memref<1x50x999xf32, #tpu.memory_space<vmem>>, vector<16xf32>,
      %swap3A_323 = arith.constant 0 : i32
      %swap3A_324 = arith.index_cast %swap3A_323 : i32 to index
      %swap3A_325 = arith.index_cast %scan3A_37 : i32 to index
      %swap3A_326 = arith.constant 448 : index
      %swap3A_327 = tpu.vector_load %arg6[%swap3A_324, %swap3A_325, %swap3A_326] {strides = array<i32>} : memref<1x50x999xf32, #tpu.memory_space<vmem>>, vector<16xf32>,
      tpu.vector_store %arg6[%swap3A_324, %swap3A_325, %swap3A_326], %broadcast_in_dim3A_5 {strides = array<i32>} : memref<1x50x999xf32, #tpu.memory_space<vmem>>, vector<16xf32>,
      %swap3A_328 = arith.constant 0 : i32
      %swap3A_329 = arith.index_cast %swap3A_328 : i32 to index
      %swap3A_330 = arith.index_cast %scan3A_37 : i32 to index
      %swap3A_331 = arith.constant 464 : index
      %swap3A_332 = tpu.vector_load %arg5[%swap3A_329, %swap3A_330, %swap3A_331] {strides = array<i32>} : memref<1x50x999xf32, #tpu.memory_space<vmem>>, vector<16xf32>,
      tpu.vector_store %arg5[%swap3A_329, %swap3A_330, %swap3A_331], %broadcast_in_dim3A_5 {strides = array<i32>} : memref<1x50x999xf32, #tpu.memory_space<vmem>>, vector<16xf32>,
      %swap3A_333 = arith.constant 0 : i32
      %swap3A_334 = arith.index_cast %swap3A_333 : i32 to index
      %swap3A_335 = arith.index_cast %scan3A_37 : i32 to index
      %swap3A_336 = arith.constant 464 : index
      %swap3A_337 = tpu.vector_load %arg6[%swap3A_334, %swap3A_335, %swap3A_336] {strides = array<i32>} : memref<1x50x999xf32, #tpu.memory_space<vmem>>, vector<16xf32>,
      tpu.vector_store %arg6[%swap3A_334, %swap3A_335, %swap3A_336], %broadcast_in_dim3A_5 {strides = array<i32>} : memref<1x50x999xf32, #tpu.memory_space<vmem>>, vector<16xf32>,
      %swap3A_338 = arith.constant 0 : i32
      %swap3A_339 = arith.index_cast %swap3A_338 : i32 to index
      %swap3A_340 = arith.index_cast %scan3A_37 : i32 to index
      %swap3A_341 = arith.constant 480 : index
      %swap3A_342 = tpu.vector_load %arg5[%swap3A_339, %swap3A_340, %swap3A_341] {strides = array<i32>} : memref<1x50x999xf32, #tpu.memory_space<vmem>>, vector<16xf32>,
      tpu.vector_store %arg5[%swap3A_339, %swap3A_340, %swap3A_341], %broadcast_in_dim3A_5 {strides = array<i32>} : memref<1x50x999xf32, #tpu.memory_space<vmem>>, vector<16xf32>,
      %swap3A_343 = arith.constant 0 : i32
      %swap3A_344 = arith.index_cast %swap3A_343 : i32 to index
      %swap3A_345 = arith.index_cast %scan3A_37 : i32 to index
      %swap3A_346 = arith.constant 480 : index
      %swap3A_347 = tpu.vector_load %arg6[%swap3A_344, %swap3A_345, %swap3A_346] {strides = array<i32>} : memref<1x50x999xf32, #tpu.memory_space<vmem>>, vector<16xf32>,
      tpu.vector_store %arg6[%swap3A_344, %swap3A_345, %swap3A_346], %broadcast_in_dim3A_5 {strides = array<i32>} : memref<1x50x999xf32, #tpu.memory_space<vmem>>, vector<16xf32>,
      %swap3A_348 = arith.constant 0 : i32
      %swap3A_349 = arith.index_cast %swap3A_348 : i32 to index
      %swap3A_350 = arith.index_cast %scan3A_37 : i32 to index
      %swap3A_351 = arith.constant 496 : index
      %swap3A_352 = tpu.vector_load %arg5[%swap3A_349, %swap3A_350, %swap3A_351] {strides = array<i32>} : memref<1x50x999xf32, #tpu.memory_space<vmem>>, vector<16xf32>,
      tpu.vector_store %arg5[%swap3A_349, %swap3A_350, %swap3A_351], %broadcast_in_dim3A_5 {strides = array<i32>} : memref<1x50x999xf32, #tpu.memory_space<vmem>>, vector<16xf32>,
      %swap3A_353 = arith.constant 0 : i32
      %swap3A_354 = arith.index_cast %swap3A_353 : i32 to index
      %swap3A_355 = arith.index_cast %scan3A_37 : i32 to index
      %swap3A_356 = arith.constant 496 : index
      %swap3A_357 = tpu.vector_load %arg6[%swap3A_354, %swap3A_355, %swap3A_356] {strides = array<i32>} : memref<1x50x999xf32, #tpu.memory_space<vmem>>, vector<16xf32>,
      tpu.vector_store %arg6[%swap3A_354, %swap3A_355, %swap3A_356], %broadcast_in_dim3A_5 {strides = array<i32>} : memref<1x50x999xf32, #tpu.memory_space<vmem>>, vector<16xf32>,
      %swap3A_358 = arith.constant 0 : i32
      %swap3A_359 = arith.index_cast %swap3A_358 : i32 to index
      %swap3A_360 = arith.index_cast %scan3A_37 : i32 to index
      %swap3A_361 = arith.constant 512 : index
      %swap3A_362 = tpu.vector_load %arg5[%swap3A_359, %swap3A_360, %swap3A_361] {strides = array<i32>} : memref<1x50x999xf32, #tpu.memory_space<vmem>>, vector<16xf32>,
      tpu.vector_store %arg5[%swap3A_359, %swap3A_360, %swap3A_361], %broadcast_in_dim3A_5 {strides = array<i32>} : memref<1x50x999xf32, #tpu.memory_space<vmem>>, vector<16xf32>,
      %swap3A_363 = arith.constant 0 : i32
      %swap3A_364 = arith.index_cast %swap3A_363 : i32 to index
      %swap3A_365 = arith.index_cast %scan3A_37 : i32 to index
      %swap3A_366 = arith.constant 512 : index
      %swap3A_367 = tpu.vector_load %arg6[%swap3A_364, %swap3A_365, %swap3A_366] {strides = array<i32>} : memref<1x50x999xf32, #tpu.memory_space<vmem>>, vector<16xf32>,
      tpu.vector_store %arg6[%swap3A_364, %swap3A_365, %swap3A_366], %broadcast_in_dim3A_5 {strides = array<i32>} : memref<1x50x999xf32, #tpu.memory_space<vmem>>, vector<16xf32>,
      %swap3A_368 = arith.constant 0 : i32
      %swap3A_369 = arith.index_cast %swap3A_368 : i32 to index
      %swap3A_370 = arith.index_cast %scan3A_37 : i32 to index
      %swap3A_371 = arith.constant 528 : index
      %swap3A_372 = tpu.vector_load %arg5[%swap3A_369, %swap3A_370, %swap3A_371] {strides = array<i32>} : memref<1x50x999xf32, #tpu.memory_space<vmem>>, vector<16xf32>,
      tpu.vector_store %arg5[%swap3A_369, %swap3A_370, %swap3A_371], %broadcast_in_dim3A_5 {strides = array<i32>} : memref<1x50x999xf32, #tpu.memory_space<vmem>>, vector<16xf32>,
      %swap3A_373 = arith.constant 0 : i32
      %swap3A_374 = arith.index_cast %swap3A_373 : i32 to index
      %swap3A_375 = arith.index_cast %scan3A_37 : i32 to index
      %swap3A_376 = arith.constant 528 : index
      %swap3A_377 = tpu.vector_load %arg6[%swap3A_374, %swap3A_375, %swap3A_376] {strides = array<i32>} : memref<1x50x999xf32, #tpu.memory_space<vmem>>, vector<16xf32>,
      tpu.vector_store %arg6[%swap3A_374, %swap3A_375, %swap3A_376], %broadcast_in_dim3A_5 {strides = array<i32>} : memref<1x50x999xf32, #tpu.memory_space<vmem>>, vector<16xf32>,
      %swap3A_378 = arith.constant 0 : i32
      %swap3A_379 = arith.index_cast %swap3A_378 : i32 to index
      %swap3A_380 = arith.index_cast %scan3A_37 : i32 to index
      %swap3A_381 = arith.constant 544 : index
      %swap3A_382 = tpu.vector_load %arg5[%swap3A_379, %swap3A_380, %swap3A_381] {strides = array<i32>} : memref<1x50x999xf32, #tpu.memory_space<vmem>>, vector<16xf32>,
      tpu.vector_store %arg5[%swap3A_379, %swap3A_380, %swap3A_381], %broadcast_in_dim3A_5 {strides = array<i32>} : memref<1x50x999xf32, #tpu.memory_space<vmem>>, vector<16xf32>,
      %swap3A_383 = arith.constant 0 : i32
      %swap3A_384 = arith.index_cast %swap3A_383 : i32 to index
      %swap3A_385 = arith.index_cast %scan3A_37 : i32 to index
      %swap3A_386 = arith.constant 544 : index
      %swap3A_387 = tpu.vector_load %arg6[%swap3A_384, %swap3A_385, %swap3A_386] {strides = array<i32>} : memref<1x50x999xf32, #tpu.memory_space<vmem>>, vector<16xf32>,
      tpu.vector_store %arg6[%swap3A_384, %swap3A_385, %swap3A_386], %broadcast_in_dim3A_5 {strides = array<i32>} : memref<1x50x999xf32, #tpu.memory_space<vmem>>, vector<16xf32>,
      %swap3A_388 = arith.constant 0 : i32
      %swap3A_389 = arith.index_cast %swap3A_388 : i32 to index
      %swap3A_390 = arith.index_cast %scan3A_37 : i32 to index
      %swap3A_391 = arith.constant 560 : index
      %swap3A_392 = tpu.vector_load %arg5[%swap3A_389, %swap3A_390, %swap3A_391] {strides = array<i32>} : memref<1x50x999xf32, #tpu.memory_space<vmem>>, vector<16xf32>,
      tpu.vector_store %arg5[%swap3A_389, %swap3A_390, %swap3A_391], %broadcast_in_dim3A_5 {strides = array<i32>} : memref<1x50x999xf32, #tpu.memory_space<vmem>>, vector<16xf32>,
      %swap3A_393 = arith.constant 0 : i32
      %swap3A_394 = arith.index_cast %swap3A_393 : i32 to index
      %swap3A_395 = arith.index_cast %scan3A_37 : i32 to index
      %swap3A_396 = arith.constant 560 : index
      %swap3A_397 = tpu.vector_load %arg6[%swap3A_394, %swap3A_395, %swap3A_396] {strides = array<i32>} : memref<1x50x999xf32, #tpu.memory_space<vmem>>, vector<16xf32>,
      tpu.vector_store %arg6[%swap3A_394, %swap3A_395, %swap3A_396], %broadcast_in_dim3A_5 {strides = array<i32>} : memref<1x50x999xf32, #tpu.memory_space<vmem>>, vector<16xf32>,
      %swap3A_398 = arith.constant 0 : i32
      %swap3A_399 = arith.index_cast %swap3A_398 : i32 to index
      %swap3A_400 = arith.index_cast %scan3A_37 : i32 to index
      %swap3A_401 = arith.constant 576 : index
      %swap3A_402 = tpu.vector_load %arg5[%swap3A_399, %swap3A_400, %swap3A_401] {strides = array<i32>} : memref<1x50x999xf32, #tpu.memory_space<vmem>>, vector<16xf32>,
      tpu.vector_store %arg5[%swap3A_399, %swap3A_400, %swap3A_401], %broadcast_in_dim3A_5 {strides = array<i32>} : memref<1x50x999xf32, #tpu.memory_space<vmem>>, vector<16xf32>,
      %swap3A_403 = arith.constant 0 : i32
      %swap3A_404 = arith.index_cast %swap3A_403 : i32 to index
      %swap3A_405 = arith.index_cast %scan3A_37 : i32 to index
      %swap3A_406 = arith.constant 576 : index
      %swap3A_407 = tpu.vector_load %arg6[%swap3A_404, %swap3A_405, %swap3A_406] {strides = array<i32>} : memref<1x50x999xf32, #tpu.memory_space<vmem>>, vector<16xf32>,
      tpu.vector_store %arg6[%swap3A_404, %swap3A_405, %swap3A_406], %broadcast_in_dim3A_5 {strides = array<i32>} : memref<1x50x999xf32, #tpu.memory_space<vmem>>, vector<16xf32>,
      %swap3A_408 = arith.constant 0 : i32
      %swap3A_409 = arith.index_cast %swap3A_408 : i32 to index
      %swap3A_410 = arith.index_cast %scan3A_37 : i32 to index
      %swap3A_411 = arith.constant 592 : index
      %swap3A_412 = tpu.vector_load %arg5[%swap3A_409, %swap3A_410, %swap3A_411] {strides = array<i32>} : memref<1x50x999xf32, #tpu.memory_space<vmem>>, vector<16xf32>,
      tpu.vector_store %arg5[%swap3A_409, %swap3A_410, %swap3A_411], %broadcast_in_dim3A_5 {strides = array<i32>} : memref<1x50x999xf32, #tpu.memory_space<vmem>>, vector<16xf32>,
      %swap3A_413 = arith.constant 0 : i32
      %swap3A_414 = arith.index_cast %swap3A_413 : i32 to index
      %swap3A_415 = arith.index_cast %scan3A_37 : i32 to index
      %swap3A_416 = arith.constant 592 : index
      %swap3A_417 = tpu.vector_load %arg6[%swap3A_414, %swap3A_415, %swap3A_416] {strides = array<i32>} : memref<1x50x999xf32, #tpu.memory_space<vmem>>, vector<16xf32>,
      tpu.vector_store %arg6[%swap3A_414, %swap3A_415, %swap3A_416], %broadcast_in_dim3A_5 {strides = array<i32>} : memref<1x50x999xf32, #tpu.memory_space<vmem>>, vector<16xf32>,
      %swap3A_418 = arith.constant 0 : i32
      %swap3A_419 = arith.index_cast %swap3A_418 : i32 to index
      %swap3A_420 = arith.index_cast %scan3A_37 : i32 to index
      %swap3A_421 = arith.constant 608 : index
      %swap3A_422 = tpu.vector_load %arg5[%swap3A_419, %swap3A_420, %swap3A_421] {strides = array<i32>} : memref<1x50x999xf32, #tpu.memory_space<vmem>>, vector<16xf32>,
      tpu.vector_store %arg5[%swap3A_419, %swap3A_420, %swap3A_421], %broadcast_in_dim3A_5 {strides = array<i32>} : memref<1x50x999xf32, #tpu.memory_space<vmem>>, vector<16xf32>,
      %swap3A_423 = arith.constant 0 : i32
      %swap3A_424 = arith.index_cast %swap3A_423 : i32 to index
      %swap3A_425 = arith.index_cast %scan3A_37 : i32 to index
      %swap3A_426 = arith.constant 608 : index
      %swap3A_427 = tpu.vector_load %arg6[%swap3A_424, %swap3A_425, %swap3A_426] {strides = array<i32>} : memref<1x50x999xf32, #tpu.memory_space<vmem>>, vector<16xf32>,
      tpu.vector_store %arg6[%swap3A_424, %swap3A_425, %swap3A_426], %broadcast_in_dim3A_5 {strides = array<i32>} : memref<1x50x999xf32, #tpu.memory_space<vmem>>, vector<16xf32>,
      %swap3A_428 = arith.constant 0 : i32
      %swap3A_429 = arith.index_cast %swap3A_428 : i32 to index
      %swap3A_430 = arith.index_cast %scan3A_37 : i32 to index
      %swap3A_431 = arith.constant 624 : index
      %swap3A_432 = tpu.vector_load %arg5[%swap3A_429, %swap3A_430, %swap3A_431] {strides = array<i32>} : memref<1x50x999xf32, #tpu.memory_space<vmem>>, vector<16xf32>,
      tpu.vector_store %arg5[%swap3A_429, %swap3A_430, %swap3A_431], %broadcast_in_dim3A_5 {strides = array<i32>} : memref<1x50x999xf32, #tpu.memory_space<vmem>>, vector<16xf32>,
      %swap3A_433 = arith.constant 0 : i32
      %swap3A_434 = arith.index_cast %swap3A_433 : i32 to index
      %swap3A_435 = arith.index_cast %scan3A_37 : i32 to index
      %swap3A_436 = arith.constant 624 : index
      %swap3A_437 = tpu.vector_load %arg6[%swap3A_434, %swap3A_435, %swap3A_436] {strides = array<i32>} : memref<1x50x999xf32, #tpu.memory_space<vmem>>, vector<16xf32>,
      tpu.vector_store %arg6[%swap3A_434, %swap3A_435, %swap3A_436], %broadcast_in_dim3A_5 {strides = array<i32>} : memref<1x50x999xf32, #tpu.memory_space<vmem>>, vector<16xf32>,
      %swap3A_438 = arith.constant 0 : i32
      %swap3A_439 = arith.index_cast %swap3A_438 : i32 to index
      %swap3A_440 = arith.index_cast %scan3A_37 : i32 to index
      %swap3A_441 = arith.constant 640 : index
      %swap3A_442 = tpu.vector_load %arg5[%swap3A_439, %swap3A_440, %swap3A_441] {strides = array<i32>} : memref<1x50x999xf32, #tpu.memory_space<vmem>>, vector<16xf32>,
      tpu.vector_store %arg5[%swap3A_439, %swap3A_440, %swap3A_441], %broadcast_in_dim3A_5 {strides = array<i32>} : memref<1x50x999xf32, #tpu.memory_space<vmem>>, vector<16xf32>,
      %swap3A_443 = arith.constant 0 : i32
      %swap3A_444 = arith.index_cast %swap3A_443 : i32 to index
      %swap3A_445 = arith.index_cast %scan3A_37 : i32 to index
      %swap3A_446 = arith.constant 640 : index
      %swap3A_447 = tpu.vector_load %arg6[%swap3A_444, %swap3A_445, %swap3A_446] {strides = array<i32>} : memref<1x50x999xf32, #tpu.memory_space<vmem>>, vector<16xf32>,
      tpu.vector_store %arg6[%swap3A_444, %swap3A_445, %swap3A_446], %broadcast_in_dim3A_5 {strides = array<i32>} : memref<1x50x999xf32, #tpu.memory_space<vmem>>, vector<16xf32>,
      %swap3A_448 = arith.constant 0 : i32
      %swap3A_449 = arith.index_cast %swap3A_448 : i32 to index
      %swap3A_450 = arith.index_cast %scan3A_37 : i32 to index
      %swap3A_451 = arith.constant 656 : index
      %swap3A_452 = tpu.vector_load %arg5[%swap3A_449, %swap3A_450, %swap3A_451] {strides = array<i32>} : memref<1x50x999xf32, #tpu.memory_space<vmem>>, vector<16xf32>,
      tpu.vector_store %arg5[%swap3A_449, %swap3A_450, %swap3A_451], %broadcast_in_dim3A_5 {strides = array<i32>} : memref<1x50x999xf32, #tpu.memory_space<vmem>>, vector<16xf32>,
      %swap3A_453 = arith.constant 0 : i32
      %swap3A_454 = arith.index_cast %swap3A_453 : i32 to index
      %swap3A_455 = arith.index_cast %scan3A_37 : i32 to index
      %swap3A_456 = arith.constant 656 : index
      %swap3A_457 = tpu.vector_load %arg6[%swap3A_454, %swap3A_455, %swap3A_456] {strides = array<i32>} : memref<1x50x999xf32, #tpu.memory_space<vmem>>, vector<16xf32>,
      tpu.vector_store %arg6[%swap3A_454, %swap3A_455, %swap3A_456], %broadcast_in_dim3A_5 {strides = array<i32>} : memref<1x50x999xf32, #tpu.memory_space<vmem>>, vector<16xf32>,
      %swap3A_458 = arith.constant 0 : i32
      %swap3A_459 = arith.index_cast %swap3A_458 : i32 to index
      %swap3A_460 = arith.index_cast %scan3A_37 : i32 to index
      %swap3A_461 = arith.constant 672 : index
      %swap3A_462 = tpu.vector_load %arg5[%swap3A_459, %swap3A_460, %swap3A_461] {strides = array<i32>} : memref<1x50x999xf32, #tpu.memory_space<vmem>>, vector<16xf32>,
      tpu.vector_store %arg5[%swap3A_459, %swap3A_460, %swap3A_461], %broadcast_in_dim3A_5 {strides = array<i32>} : memref<1x50x999xf32, #tpu.memory_space<vmem>>, vector<16xf32>,
      %swap3A_463 = arith.constant 0 : i32
      %swap3A_464 = arith.index_cast %swap3A_463 : i32 to index
      %swap3A_465 = arith.index_cast %scan3A_37 : i32 to index
      %swap3A_466 = arith.constant 672 : index
      %swap3A_467 = tpu.vector_load %arg6[%swap3A_464, %swap3A_465, %swap3A_466] {strides = array<i32>} : memref<1x50x999xf32, #tpu.memory_space<vmem>>, vector<16xf32>,
      tpu.vector_store %arg6[%swap3A_464, %swap3A_465, %swap3A_466], %broadcast_in_dim3A_5 {strides = array<i32>} : memref<1x50x999xf32, #tpu.memory_space<vmem>>, vector<16xf32>,
      %swap3A_468 = arith.constant 0 : i32
      %swap3A_469 = arith.index_cast %swap3A_468 : i32 to index
      %swap3A_470 = arith.index_cast %scan3A_37 : i32 to index
      %swap3A_471 = arith.constant 688 : index
      %swap3A_472 = tpu.vector_load %arg5[%swap3A_469, %swap3A_470, %swap3A_471] {strides = array<i32>} : memref<1x50x999xf32, #tpu.memory_space<vmem>>, vector<16xf32>,
      tpu.vector_store %arg5[%swap3A_469, %swap3A_470, %swap3A_471], %broadcast_in_dim3A_5 {strides = array<i32>} : memref<1x50x999xf32, #tpu.memory_space<vmem>>, vector<16xf32>,
      %swap3A_473 = arith.constant 0 : i32
      %swap3A_474 = arith.index_cast %swap3A_473 : i32 to index
      %swap3A_475 = arith.index_cast %scan3A_37 : i32 to index
      %swap3A_476 = arith.constant 688 : index
      %swap3A_477 = tpu.vector_load %arg6[%swap3A_474, %swap3A_475, %swap3A_476] {strides = array<i32>} : memref<1x50x999xf32, #tpu.memory_space<vmem>>, vector<16xf32>,
      tpu.vector_store %arg6[%swap3A_474, %swap3A_475, %swap3A_476], %broadcast_in_dim3A_5 {strides = array<i32>} : memref<1x50x999xf32, #tpu.memory_space<vmem>>, vector<16xf32>,
      %swap3A_478 = arith.constant 0 : i32
      %swap3A_479 = arith.index_cast %swap3A_478 : i32 to index
      %swap3A_480 = arith.index_cast %scan3A_37 : i32 to index
      %swap3A_481 = arith.constant 704 : index
      %swap3A_482 = tpu.vector_load %arg5[%swap3A_479, %swap3A_480, %swap3A_481] {strides = array<i32>} : memref<1x50x999xf32, #tpu.memory_space<vmem>>, vector<16xf32>,
      tpu.vector_store %arg5[%swap3A_479, %swap3A_480, %swap3A_481], %broadcast_in_dim3A_5 {strides = array<i32>} : memref<1x50x999xf32, #tpu.memory_space<vmem>>, vector<16xf32>,
      %swap3A_483 = arith.constant 0 : i32
      %swap3A_484 = arith.index_cast %swap3A_483 : i32 to index
      %swap3A_485 = arith.index_cast %scan3A_37 : i32 to index
      %swap3A_486 = arith.constant 704 : index
      %swap3A_487 = tpu.vector_load %arg6[%swap3A_484, %swap3A_485, %swap3A_486] {strides = array<i32>} : memref<1x50x999xf32, #tpu.memory_space<vmem>>, vector<16xf32>,
      tpu.vector_store %arg6[%swap3A_484, %swap3A_485, %swap3A_486], %broadcast_in_dim3A_5 {strides = array<i32>} : memref<1x50x999xf32, #tpu.memory_space<vmem>>, vector<16xf32>,
      %swap3A_488 = arith.constant 0 : i32
      %swap3A_489 = arith.index_cast %swap3A_488 : i32 to index
      %swap3A_490 = arith.index_cast %scan3A_37 : i32 to index
      %swap3A_491 = arith.constant 720 : index
      %swap3A_492 = tpu.vector_load %arg5[%swap3A_489, %swap3A_490, %swap3A_491] {strides = array<i32>} : memref<1x50x999xf32, #tpu.memory_space<vmem>>, vector<16xf32>,
      tpu.vector_store %arg5[%swap3A_489, %swap3A_490, %swap3A_491], %broadcast_in_dim3A_5 {strides = array<i32>} : memref<1x50x999xf32, #tpu.memory_space<vmem>>, vector<16xf32>,
      %swap3A_493 = arith.constant 0 : i32
      %swap3A_494 = arith.index_cast %swap3A_493 : i32 to index
      %swap3A_495 = arith.index_cast %scan3A_37 : i32 to index
      %swap3A_496 = arith.constant 720 : index
      %swap3A_497 = tpu.vector_load %arg6[%swap3A_494, %swap3A_495, %swap3A_496] {strides = array<i32>} : memref<1x50x999xf32, #tpu.memory_space<vmem>>, vector<16xf32>,
      tpu.vector_store %arg6[%swap3A_494, %swap3A_495, %swap3A_496], %broadcast_in_dim3A_5 {strides = array<i32>} : memref<1x50x999xf32, #tpu.memory_space<vmem>>, vector<16xf32>,
      %swap3A_498 = arith.constant 0 : i32
      %swap3A_499 = arith.index_cast %swap3A_498 : i32 to index
      %swap3A_500 = arith.index_cast %scan3A_37 : i32 to index
      %swap3A_501 = arith.constant 736 : index
      %swap3A_502 = tpu.vector_load %arg5[%swap3A_499, %swap3A_500, %swap3A_501] {strides = array<i32>} : memref<1x50x999xf32, #tpu.memory_space<vmem>>, vector<16xf32>,
      tpu.vector_store %arg5[%swap3A_499, %swap3A_500, %swap3A_501], %broadcast_in_dim3A_5 {strides = array<i32>} : memref<1x50x999xf32, #tpu.memory_space<vmem>>, vector<16xf32>,
      %swap3A_503 = arith.constant 0 : i32
      %swap3A_504 = arith.index_cast %swap3A_503 : i32 to index
      %swap3A_505 = arith.index_cast %scan3A_37 : i32 to index
      %swap3A_506 = arith.constant 736 : index
      %swap3A_507 = tpu.vector_load %arg6[%swap3A_504, %swap3A_505, %swap3A_506] {strides = array<i32>} : memref<1x50x999xf32, #tpu.memory_space<vmem>>, vector<16xf32>,
      tpu.vector_store %arg6[%swap3A_504, %swap3A_505, %swap3A_506], %broadcast_in_dim3A_5 {strides = array<i32>} : memref<1x50x999xf32, #tpu.memory_space<vmem>>, vector<16xf32>,
      %swap3A_508 = arith.constant 0 : i32
      %swap3A_509 = arith.index_cast %swap3A_508 : i32 to index
      %swap3A_510 = arith.index_cast %scan3A_37 : i32 to index
      %swap3A_511 = arith.constant 752 : index
      %swap3A_512 = tpu.vector_load %arg5[%swap3A_509, %swap3A_510, %swap3A_511] {strides = array<i32>} : memref<1x50x999xf32, #tpu.memory_space<vmem>>, vector<16xf32>,
      tpu.vector_store %arg5[%swap3A_509, %swap3A_510, %swap3A_511], %broadcast_in_dim3A_5 {strides = array<i32>} : memref<1x50x999xf32, #tpu.memory_space<vmem>>, vector<16xf32>,
      %swap3A_513 = arith.constant 0 : i32
      %swap3A_514 = arith.index_cast %swap3A_513 : i32 to index
      %swap3A_515 = arith.index_cast %scan3A_37 : i32 to index
      %swap3A_516 = arith.constant 752 : index
      %swap3A_517 = tpu.vector_load %arg6[%swap3A_514, %swap3A_515, %swap3A_516] {strides = array<i32>} : memref<1x50x999xf32, #tpu.memory_space<vmem>>, vector<16xf32>,
      tpu.vector_store %arg6[%swap3A_514, %swap3A_515, %swap3A_516], %broadcast_in_dim3A_5 {strides = array<i32>} : memref<1x50x999xf32, #tpu.memory_space<vmem>>, vector<16xf32>,
      %swap3A_518 = arith.constant 0 : i32
      %swap3A_519 = arith.index_cast %swap3A_518 : i32 to index
      %swap3A_520 = arith.index_cast %scan3A_37 : i32 to index
      %swap3A_521 = arith.constant 768 : index
      %swap3A_522 = tpu.vector_load %arg5[%swap3A_519, %swap3A_520, %swap3A_521] {strides = array<i32>} : memref<1x50x999xf32, #tpu.memory_space<vmem>>, vector<16xf32>,
      tpu.vector_store %arg5[%swap3A_519, %swap3A_520, %swap3A_521], %broadcast_in_dim3A_5 {strides = array<i32>} : memref<1x50x999xf32, #tpu.memory_space<vmem>>, vector<16xf32>,
      %swap3A_523 = arith.constant 0 : i32
      %swap3A_524 = arith.index_cast %swap3A_523 : i32 to index
      %swap3A_525 = arith.index_cast %scan3A_37 : i32 to index
      %swap3A_526 = arith.constant 768 : index
      %swap3A_527 = tpu.vector_load %arg6[%swap3A_524, %swap3A_525, %swap3A_526] {strides = array<i32>} : memref<1x50x999xf32, #tpu.memory_space<vmem>>, vector<16xf32>,
      tpu.vector_store %arg6[%swap3A_524, %swap3A_525, %swap3A_526], %broadcast_in_dim3A_5 {strides = array<i32>} : memref<1x50x999xf32, #tpu.memory_space<vmem>>, vector<16xf32>,
      %swap3A_528 = arith.constant 0 : i32
      %swap3A_529 = arith.index_cast %swap3A_528 : i32 to index
      %swap3A_530 = arith.index_cast %scan3A_37 : i32 to index
      %swap3A_531 = arith.constant 784 : index
      %swap3A_532 = tpu.vector_load %arg5[%swap3A_529, %swap3A_530, %swap3A_531] {strides = array<i32>} : memref<1x50x999xf32, #tpu.memory_space<vmem>>, vector<16xf32>,
      tpu.vector_store %arg5[%swap3A_529, %swap3A_530, %swap3A_531], %broadcast_in_dim3A_5 {strides = array<i32>} : memref<1x50x999xf32, #tpu.memory_space<vmem>>, vector<16xf32>,
      %swap3A_533 = arith.constant 0 : i32
      %swap3A_534 = arith.index_cast %swap3A_533 : i32 to index
      %swap3A_535 = arith.index_cast %scan3A_37 : i32 to index
      %swap3A_536 = arith.constant 784 : index
      %swap3A_537 = tpu.vector_load %arg6[%swap3A_534, %swap3A_535, %swap3A_536] {strides = array<i32>} : memref<1x50x999xf32, #tpu.memory_space<vmem>>, vector<16xf32>,
      tpu.vector_store %arg6[%swap3A_534, %swap3A_535, %swap3A_536], %broadcast_in_dim3A_5 {strides = array<i32>} : memref<1x50x999xf32, #tpu.memory_space<vmem>>, vector<16xf32>,
      %swap3A_538 = arith.constant 0 : i32
      %swap3A_539 = arith.index_cast %swap3A_538 : i32 to index
      %swap3A_540 = arith.index_cast %scan3A_37 : i32 to index
      %swap3A_541 = arith.constant 800 : index
      %swap3A_542 = tpu.vector_load %arg5[%swap3A_539, %swap3A_540, %swap3A_541] {strides = array<i32>} : memref<1x50x999xf32, #tpu.memory_space<vmem>>, vector<16xf32>,
      tpu.vector_store %arg5[%swap3A_539, %swap3A_540, %swap3A_541], %broadcast_in_dim3A_5 {strides = array<i32>} : memref<1x50x999xf32, #tpu.memory_space<vmem>>, vector<16xf32>,
      %swap3A_543 = arith.constant 0 : i32
      %swap3A_544 = arith.index_cast %swap3A_543 : i32 to index
      %swap3A_545 = arith.index_cast %scan3A_37 : i32 to index
      %swap3A_546 = arith.constant 800 : index
      %swap3A_547 = tpu.vector_load %arg6[%swap3A_544, %swap3A_545, %swap3A_546] {strides = array<i32>} : memref<1x50x999xf32, #tpu.memory_space<vmem>>, vector<16xf32>,
      tpu.vector_store %arg6[%swap3A_544, %swap3A_545, %swap3A_546], %broadcast_in_dim3A_5 {strides = array<i32>} : memref<1x50x999xf32, #tpu.memory_space<vmem>>, vector<16xf32>,
      %swap3A_548 = arith.constant 0 : i32
      %swap3A_549 = arith.index_cast %swap3A_548 : i32 to index
      %swap3A_550 = arith.index_cast %scan3A_37 : i32 to index
      %swap3A_551 = arith.constant 816 : index
      %swap3A_552 = tpu.vector_load %arg5[%swap3A_549, %swap3A_550, %swap3A_551] {strides = array<i32>} : memref<1x50x999xf32, #tpu.memory_space<vmem>>, vector<16xf32>,
      tpu.vector_store %arg5[%swap3A_549, %swap3A_550, %swap3A_551], %broadcast_in_dim3A_5 {strides = array<i32>} : memref<1x50x999xf32, #tpu.memory_space<vmem>>, vector<16xf32>,
      %swap3A_553 = arith.constant 0 : i32
      %swap3A_554 = arith.index_cast %swap3A_553 : i32 to index
      %swap3A_555 = arith.index_cast %scan3A_37 : i32 to index
      %swap3A_556 = arith.constant 816 : index
      %swap3A_557 = tpu.vector_load %arg6[%swap3A_554, %swap3A_555, %swap3A_556] {strides = array<i32>} : memref<1x50x999xf32, #tpu.memory_space<vmem>>, vector<16xf32>,
      tpu.vector_store %arg6[%swap3A_554, %swap3A_555, %swap3A_556], %broadcast_in_dim3A_5 {strides = array<i32>} : memref<1x50x999xf32, #tpu.memory_space<vmem>>, vector<16xf32>,
      %swap3A_558 = arith.constant 0 : i32
      %swap3A_559 = arith.index_cast %swap3A_558 : i32 to index
      %swap3A_560 = arith.index_cast %scan3A_37 : i32 to index
      %swap3A_561 = arith.constant 832 : index
      %swap3A_562 = tpu.vector_load %arg5[%swap3A_559, %swap3A_560, %swap3A_561] {strides = array<i32>} : memref<1x50x999xf32, #tpu.memory_space<vmem>>, vector<16xf32>,
      tpu.vector_store %arg5[%swap3A_559, %swap3A_560, %swap3A_561], %broadcast_in_dim3A_5 {strides = array<i32>} : memref<1x50x999xf32, #tpu.memory_space<vmem>>, vector<16xf32>,
      %swap3A_563 = arith.constant 0 : i32
      %swap3A_564 = arith.index_cast %swap3A_563 : i32 to index
      %swap3A_565 = arith.index_cast %scan3A_37 : i32 to index
      %swap3A_566 = arith.constant 832 : index
      %swap3A_567 = tpu.vector_load %arg6[%swap3A_564, %swap3A_565, %swap3A_566] {strides = array<i32>} : memref<1x50x999xf32, #tpu.memory_space<vmem>>, vector<16xf32>,
      tpu.vector_store %arg6[%swap3A_564, %swap3A_565, %swap3A_566], %broadcast_in_dim3A_5 {strides = array<i32>} : memref<1x50x999xf32, #tpu.memory_space<vmem>>, vector<16xf32>,
      %swap3A_568 = arith.constant 0 : i32
      %swap3A_569 = arith.index_cast %swap3A_568 : i32 to index
      %swap3A_570 = arith.index_cast %scan3A_37 : i32 to index
      %swap3A_571 = arith.constant 848 : index
      %swap3A_572 = tpu.vector_load %arg5[%swap3A_569, %swap3A_570, %swap3A_571] {strides = array<i32>} : memref<1x50x999xf32, #tpu.memory_space<vmem>>, vector<16xf32>,
      tpu.vector_store %arg5[%swap3A_569, %swap3A_570, %swap3A_571], %broadcast_in_dim3A_5 {strides = array<i32>} : memref<1x50x999xf32, #tpu.memory_space<vmem>>, vector<16xf32>,
      %swap3A_573 = arith.constant 0 : i32
      %swap3A_574 = arith.index_cast %swap3A_573 : i32 to index
      %swap3A_575 = arith.index_cast %scan3A_37 : i32 to index
      %swap3A_576 = arith.constant 848 : index
      %swap3A_577 = tpu.vector_load %arg6[%swap3A_574, %swap3A_575, %swap3A_576] {strides = array<i32>} : memref<1x50x999xf32, #tpu.memory_space<vmem>>, vector<16xf32>,
      tpu.vector_store %arg6[%swap3A_574, %swap3A_575, %swap3A_576], %broadcast_in_dim3A_5 {strides = array<i32>} : memref<1x50x999xf32, #tpu.memory_space<vmem>>, vector<16xf32>,
      %swap3A_578 = arith.constant 0 : i32
      %swap3A_579 = arith.index_cast %swap3A_578 : i32 to index
      %swap3A_580 = arith.index_cast %scan3A_37 : i32 to index
      %swap3A_581 = arith.constant 864 : index
      %swap3A_582 = tpu.vector_load %arg5[%swap3A_579, %swap3A_580, %swap3A_581] {strides = array<i32>} : memref<1x50x999xf32, #tpu.memory_space<vmem>>, vector<16xf32>,
      tpu.vector_store %arg5[%swap3A_579, %swap3A_580, %swap3A_581], %broadcast_in_dim3A_5 {strides = array<i32>} : memref<1x50x999xf32, #tpu.memory_space<vmem>>, vector<16xf32>,
      %swap3A_583 = arith.constant 0 : i32
      %swap3A_584 = arith.index_cast %swap3A_583 : i32 to index
      %swap3A_585 = arith.index_cast %scan3A_37 : i32 to index
      %swap3A_586 = arith.constant 864 : index
      %swap3A_587 = tpu.vector_load %arg6[%swap3A_584, %swap3A_585, %swap3A_586] {strides = array<i32>} : memref<1x50x999xf32, #tpu.memory_space<vmem>>, vector<16xf32>,
      tpu.vector_store %arg6[%swap3A_584, %swap3A_585, %swap3A_586], %broadcast_in_dim3A_5 {strides = array<i32>} : memref<1x50x999xf32, #tpu.memory_space<vmem>>, vector<16xf32>,
      %swap3A_588 = arith.constant 0 : i32
      %swap3A_589 = arith.index_cast %swap3A_588 : i32 to index
      %swap3A_590 = arith.index_cast %scan3A_37 : i32 to index
      %swap3A_591 = arith.constant 880 : index
      %swap3A_592 = tpu.vector_load %arg5[%swap3A_589, %swap3A_590, %swap3A_591] {strides = array<i32>} : memref<1x50x999xf32, #tpu.memory_space<vmem>>, vector<16xf32>,
      tpu.vector_store %arg5[%swap3A_589, %swap3A_590, %swap3A_591], %broadcast_in_dim3A_5 {strides = array<i32>} : memref<1x50x999xf32, #tpu.memory_space<vmem>>, vector<16xf32>,
      %swap3A_593 = arith.constant 0 : i32
      %swap3A_594 = arith.index_cast %swap3A_593 : i32 to index
      %swap3A_595 = arith.index_cast %scan3A_37 : i32 to index
      %swap3A_596 = arith.constant 880 : index
      %swap3A_597 = tpu.vector_load %arg6[%swap3A_594, %swap3A_595, %swap3A_596] {strides = array<i32>} : memref<1x50x999xf32, #tpu.memory_space<vmem>>, vector<16xf32>,
      tpu.vector_store %arg6[%swap3A_594, %swap3A_595, %swap3A_596], %broadcast_in_dim3A_5 {strides = array<i32>} : memref<1x50x999xf32, #tpu.memory_space<vmem>>, vector<16xf32>,
      %swap3A_598 = arith.constant 0 : i32
      %swap3A_599 = arith.index_cast %swap3A_598 : i32 to index
      %swap3A_600 = arith.index_cast %scan3A_37 : i32 to index
      %swap3A_601 = arith.constant 896 : index
      %swap3A_602 = tpu.vector_load %arg5[%swap3A_599, %swap3A_600, %swap3A_601] {strides = array<i32>} : memref<1x50x999xf32, #tpu.memory_space<vmem>>, vector<16xf32>,
      tpu.vector_store %arg5[%swap3A_599, %swap3A_600, %swap3A_601], %broadcast_in_dim3A_5 {strides = array<i32>} : memref<1x50x999xf32, #tpu.memory_space<vmem>>, vector<16xf32>,
      %swap3A_603 = arith.constant 0 : i32
      %swap3A_604 = arith.index_cast %swap3A_603 : i32 to index
      %swap3A_605 = arith.index_cast %scan3A_37 : i32 to index
      %swap3A_606 = arith.constant 896 : index
      %swap3A_607 = tpu.vector_load %arg6[%swap3A_604, %swap3A_605, %swap3A_606] {strides = array<i32>} : memref<1x50x999xf32, #tpu.memory_space<vmem>>, vector<16xf32>,
      tpu.vector_store %arg6[%swap3A_604, %swap3A_605, %swap3A_606], %broadcast_in_dim3A_5 {strides = array<i32>} : memref<1x50x999xf32, #tpu.memory_space<vmem>>, vector<16xf32>,
      %swap3A_608 = arith.constant 0 : i32
      %swap3A_609 = arith.index_cast %swap3A_608 : i32 to index
      %swap3A_610 = arith.index_cast %scan3A_37 : i32 to index
      %swap3A_611 = arith.constant 912 : index
      %swap3A_612 = tpu.vector_load %arg5[%swap3A_609, %swap3A_610, %swap3A_611] {strides = array<i32>} : memref<1x50x999xf32, #tpu.memory_space<vmem>>, vector<16xf32>,
      tpu.vector_store %arg5[%swap3A_609, %swap3A_610, %swap3A_611], %broadcast_in_dim3A_5 {strides = array<i32>} : memref<1x50x999xf32, #tpu.memory_space<vmem>>, vector<16xf32>,
      %swap3A_613 = arith.constant 0 : i32
      %swap3A_614 = arith.index_cast %swap3A_613 : i32 to index
      %swap3A_615 = arith.index_cast %scan3A_37 : i32 to index
      %swap3A_616 = arith.constant 912 : index
      %swap3A_617 = tpu.vector_load %arg6[%swap3A_614, %swap3A_615, %swap3A_616] {strides = array<i32>} : memref<1x50x999xf32, #tpu.memory_space<vmem>>, vector<16xf32>,
      tpu.vector_store %arg6[%swap3A_614, %swap3A_615, %swap3A_616], %broadcast_in_dim3A_5 {strides = array<i32>} : memref<1x50x999xf32, #tpu.memory_space<vmem>>, vector<16xf32>,
      %swap3A_618 = arith.constant 0 : i32
      %swap3A_619 = arith.index_cast %swap3A_618 : i32 to index
      %swap3A_620 = arith.index_cast %scan3A_37 : i32 to index
      %swap3A_621 = arith.constant 928 : index
      %swap3A_622 = tpu.vector_load %arg5[%swap3A_619, %swap3A_620, %swap3A_621] {strides = array<i32>} : memref<1x50x999xf32, #tpu.memory_space<vmem>>, vector<16xf32>,
      tpu.vector_store %arg5[%swap3A_619, %swap3A_620, %swap3A_621], %broadcast_in_dim3A_5 {strides = array<i32>} : memref<1x50x999xf32, #tpu.memory_space<vmem>>, vector<16xf32>,
      %swap3A_623 = arith.constant 0 : i32
      %swap3A_624 = arith.index_cast %swap3A_623 : i32 to index
      %swap3A_625 = arith.index_cast %scan3A_37 : i32 to index
      %swap3A_626 = arith.constant 928 : index
      %swap3A_627 = tpu.vector_load %arg6[%swap3A_624, %swap3A_625, %swap3A_626] {strides = array<i32>} : memref<1x50x999xf32, #tpu.memory_space<vmem>>, vector<16xf32>,
      tpu.vector_store %arg6[%swap3A_624, %swap3A_625, %swap3A_626], %broadcast_in_dim3A_5 {strides = array<i32>} : memref<1x50x999xf32, #tpu.memory_space<vmem>>, vector<16xf32>,
      %swap3A_628 = arith.constant 0 : i32
      %swap3A_629 = arith.index_cast %swap3A_628 : i32 to index
      %swap3A_630 = arith.index_cast %scan3A_37 : i32 to index
      %swap3A_631 = arith.constant 944 : index
      %swap3A_632 = tpu.vector_load %arg5[%swap3A_629, %swap3A_630, %swap3A_631] {strides = array<i32>} : memref<1x50x999xf32, #tpu.memory_space<vmem>>, vector<16xf32>,
      tpu.vector_store %arg5[%swap3A_629, %swap3A_630, %swap3A_631], %broadcast_in_dim3A_5 {strides = array<i32>} : memref<1x50x999xf32, #tpu.memory_space<vmem>>, vector<16xf32>,
      %swap3A_633 = arith.constant 0 : i32
      %swap3A_634 = arith.index_cast %swap3A_633 : i32 to index
      %swap3A_635 = arith.index_cast %scan3A_37 : i32 to index
      %swap3A_636 = arith.constant 944 : index
      %swap3A_637 = tpu.vector_load %arg6[%swap3A_634, %swap3A_635, %swap3A_636] {strides = array<i32>} : memref<1x50x999xf32, #tpu.memory_space<vmem>>, vector<16xf32>,
      tpu.vector_store %arg6[%swap3A_634, %swap3A_635, %swap3A_636], %broadcast_in_dim3A_5 {strides = array<i32>} : memref<1x50x999xf32, #tpu.memory_space<vmem>>, vector<16xf32>,
      %swap3A_638 = arith.constant 0 : i32
      %swap3A_639 = arith.index_cast %swap3A_638 : i32 to index
      %swap3A_640 = arith.index_cast %scan3A_37 : i32 to index
      %swap3A_641 = arith.constant 960 : index
      %swap3A_642 = tpu.vector_load %arg5[%swap3A_639, %swap3A_640, %swap3A_641] {strides = array<i32>} : memref<1x50x999xf32, #tpu.memory_space<vmem>>, vector<16xf32>,
      tpu.vector_store %arg5[%swap3A_639, %swap3A_640, %swap3A_641], %broadcast_in_dim3A_5 {strides = array<i32>} : memref<1x50x999xf32, #tpu.memory_space<vmem>>, vector<16xf32>,
      %swap3A_643 = arith.constant 0 : i32
      %swap3A_644 = arith.index_cast %swap3A_643 : i32 to index
      %swap3A_645 = arith.index_cast %scan3A_37 : i32 to index
      %swap3A_646 = arith.constant 960 : index
      %swap3A_647 = tpu.vector_load %arg6[%swap3A_644, %swap3A_645, %swap3A_646] {strides = array<i32>} : memref<1x50x999xf32, #tpu.memory_space<vmem>>, vector<16xf32>,
      tpu.vector_store %arg6[%swap3A_644, %swap3A_645, %swap3A_646], %broadcast_in_dim3A_5 {strides = array<i32>} : memref<1x50x999xf32, #tpu.memory_space<vmem>>, vector<16xf32>,
      %swap3A_648 = arith.constant 0 : i32
      %swap3A_649 = arith.index_cast %swap3A_648 : i32 to index
      %swap3A_650 = arith.index_cast %scan3A_37 : i32 to index
      %swap3A_651 = arith.constant 976 : index
      %swap3A_652 = tpu.vector_load %arg5[%swap3A_649, %swap3A_650, %swap3A_651] {strides = array<i32>} : memref<1x50x999xf32, #tpu.memory_space<vmem>>, vector<16xf32>,
      tpu.vector_store %arg5[%swap3A_649, %swap3A_650, %swap3A_651], %broadcast_in_dim3A_5 {strides = array<i32>} : memref<1x50x999xf32, #tpu.memory_space<vmem>>, vector<16xf32>,
      %swap3A_653 = arith.constant 0 : i32
      %swap3A_654 = arith.index_cast %swap3A_653 : i32 to index
      %swap3A_655 = arith.index_cast %scan3A_37 : i32 to index
      %swap3A_656 = arith.constant 976 : index
      %swap3A_657 = tpu.vector_load %arg6[%swap3A_654, %swap3A_655, %swap3A_656] {strides = array<i32>} : memref<1x50x999xf32, #tpu.memory_space<vmem>>, vector<16xf32>,
      tpu.vector_store %arg6[%swap3A_654, %swap3A_655, %swap3A_656], %broadcast_in_dim3A_5 {strides = array<i32>} : memref<1x50x999xf32, #tpu.memory_space<vmem>>, vector<16xf32>,
      %swap3A_658 = arith.constant 0 : i32
      %swap3A_659 = arith.index_cast %swap3A_658 : i32 to index
      %swap3A_660 = arith.index_cast %scan3A_37 : i32 to index
      %swap3A_661 = arith.constant 983 : index
      %swap3A_662 = tpu.vector_load %arg5[%swap3A_659, %swap3A_660, %swap3A_661] {strides = array<i32>} : memref<1x50x999xf32, #tpu.memory_space<vmem>>, vector<16xf32>,
      tpu.vector_store %arg5[%swap3A_659, %swap3A_660, %swap3A_661], %broadcast_in_dim3A_5 {strides = array<i32>} : memref<1x50x999xf32, #tpu.memory_space<vmem>>, vector<16xf32>,
      %swap3A_663 = arith.constant 0 : i32
      %swap3A_664 = arith.index_cast %swap3A_663 : i32 to index
      %swap3A_665 = arith.index_cast %scan3A_37 : i32 to index
      %swap3A_666 = arith.constant 983 : index
      %swap3A_667 = tpu.vector_load %arg6[%swap3A_664, %swap3A_665, %swap3A_666] {strides = array<i32>} : memref<1x50x999xf32, #tpu.memory_space<vmem>>, vector<16xf32>,
      tpu.vector_store %arg6[%swap3A_664, %swap3A_665, %swap3A_666], %broadcast_in_dim3A_5 {strides = array<i32>} : memref<1x50x999xf32, #tpu.memory_space<vmem>>, vector<16xf32>,
      %scan3A_668 = arith.constant 0 : i32
      scf.yield %scan3A_668 : i32
    }
    %scan3A_11 = arith.constant 50 : i32
    %scan3A_12 = arith.constant 0 : i32
    %scan3A_13 = arith.constant 0 : i32
    %scan3A_14 = arith.constant 16 : i32
    %scan3A_15 = arith.addi %scan3A_13, %scan3A_14 : i32
    %scan3A_16 = arith.constant 1 : i32
    %scan3A_17 = scf.for %scan3A_37 = %scan3A_13 to %scan3A_15 step %scan3A_16 iter_args(%scan3A_38 = %scan3A_12) -> (i32)  : i32 {
      %mul3A_39 = arith.constant 2 : i32
      %mul3A_40 = arith.muli %mul3A_39, %scan3A_37 : i32
      %ge3A = arith.constant 2 : i32
      %ge3A_41 = arith.cmpi sge, %mul3A_40, %ge3A : i32
      %convert_element_type3A = arith.extui %ge3A_41 : i1 to i32
      %cond3A = arith.constant 0 : i32
      %cond3A_42 = arith.cmpi ne, %convert_element_type3A, %cond3A : i32
      scf.if %cond3A_42 {
        %add3A_254 = arith.addi %mul3A_2, %mul3A_40 : i32
        %sub3A_255 = arith.constant 2 : i32
        %sub3A_256 = arith.subi %add3A_254, %sub3A_255 : i32
        %dma_wait3A_257 = arith.constant 0 : i32
        %dma_wait3A_258 = arith.constant 0 : i32
        %dma_wait3A_259 = tpu.memref_slice %arg3[%sub3A_256, %dma_wait3A_257, %dma_wait3A_258] : memref<1024x50x999xf32, #tpu.memory_space<hbm>> -> memref<1x50x999xf32, #tpu.memory_space<hbm>>
        %dma_wait3A_260 = arith.constant 0 : i32
        %dma_wait3A_261 = arith.constant 0 : i32
        %dma_wait3A_262 = tpu.memref_slice %arg3[%sub3A_256, %dma_wait3A_260, %dma_wait3A_261] : memref<1024x50x999xf32, #tpu.memory_space<hbm>> -> memref<1x50x999xf32, #tpu.memory_space<hbm>>
        tpu.wait_dma2 semaphore(%arg7 : memref<!tpu.dma_semaphore, #tpu.memory_space<semaphore_mem>>) src(%arg5 : memref<1x50x999xf32, #tpu.memory_space<vmem>>) dst(%dma_wait3A_262 : memref<1x50x999xf32, #tpu.memory_space<hbm>>)
        %sub3A_263 = arith.constant 2 : i32
        %sub3A_264 = arith.subi %mul3A_40, %sub3A_263 : i32
        %iota3A_265 = tpu.iota {dimensions = array<i32: 0>} : vector<16xi32>
        %add3A_266 = arith.constant 0 : i32
        %add3A_267 = vector.broadcast %add3A_266 : i32 to vector<16xi32>
        %add3A_268 = arith.addi %iota3A_265, %add3A_267 : vector<16xi32>
        %mul3A_269 = arith.constant 50 : i32
        %mul3A_270 = arith.muli %sub3A_264, %mul3A_269 : i32
        %add3A_271 = arith.constant 0 : i32
        %add3A_272 = arith.addi %mul3A_270, %add3A_271 : i32
        %get3A_273 = arith.index_cast %add3A_272 : i32 to index
        %get3A_274 = tpu.vector_load %arg4[%get3A_273] {strides = array<i32>} : memref<1616xi32, #tpu.memory_space<vmem>>, vector<16xi32>,
        %broadcast_in_dim3A_275 = arith.constant 0 : i32
        %broadcast_in_dim3A_276 = vector.broadcast %broadcast_in_dim3A_275 : i32 to vector<16xi32>
        %sub3A_277 = arith.constant 1 : i32
        %sub3A_278 = vector.broadcast %sub3A_277 : i32 to vector<16xi32>
        %sub3A_279 = arith.subi %get3A_274, %sub3A_278 : vector<16xi32>
        %lt3A_280 = arith.constant 50 : i32
        %lt3A_281 = vector.broadcast %lt3A_280 : i32 to vector<16xi32>
        %lt3A_282 = arith.cmpi slt, %add3A_268, %lt3A_281 : vector<16xi32>
        %ge3A_283 = arith.constant 1 : i32
        %ge3A_284 = vector.broadcast %ge3A_283 : i32 to vector<16xi32>
        %ge3A_285 = arith.cmpi sge, %get3A_274, %ge3A_284 : vector<16xi32>
        %and3A_286 = arith.andi %lt3A_282, %ge3A_285 : vector<16xi1>
        %broadcast_in_dim3A_287 = arith.constant 0.000000e+00 : f32
        %broadcast_in_dim3A_288 = vector.broadcast %broadcast_in_dim3A_287 : f32 to vector<16xf32>
        tpu.vector_store_idx %arg5[%broadcast_in_dim3A_276, %add3A_268, %sub3A_279], %broadcast_in_dim3A_288 masked %and3A_286 : memref<1x50x999xf32, #tpu.memory_space<vmem>>[vector<16xi32>, vector<16xi32>, vector<16xi32>], vector<16xf32>, vector<16xi1>
        %iota3A_289 = tpu.iota {dimensions = array<i32: 0>} : vector<16xi32>
        %add3A_290 = arith.constant 16 : i32
        %add3A_291 = vector.broadcast %add3A_290 : i32 to vector<16xi32>
        %add3A_292 = arith.addi %iota3A_289, %add3A_291 : vector<16xi32>
        %mul3A_293 = arith.constant 50 : i32
        %mul3A_294 = arith.muli %sub3A_264, %mul3A_293 : i32
        %add3A_295 = arith.constant 16 : i32
        %add3A_296 = arith.addi %mul3A_294, %add3A_295 : i32
        %get3A_297 = arith.index_cast %add3A_296 : i32 to index
        %get3A_298 = tpu.vector_load %arg4[%get3A_297] {strides = array<i32>} : memref<1616xi32, #tpu.memory_space<vmem>>, vector<16xi32>,
        %broadcast_in_dim3A_299 = arith.constant 0 : i32
        %broadcast_in_dim3A_300 = vector.broadcast %broadcast_in_dim3A_299 : i32 to vector<16xi32>
        %sub3A_301 = arith.constant 1 : i32
        %sub3A_302 = vector.broadcast %sub3A_301 : i32 to vector<16xi32>
        %sub3A_303 = arith.subi %get3A_298, %sub3A_302 : vector<16xi32>
        %lt3A_304 = arith.constant 50 : i32
        %lt3A_305 = vector.broadcast %lt3A_304 : i32 to vector<16xi32>
        %lt3A_306 = arith.cmpi slt, %add3A_292, %lt3A_305 : vector<16xi32>
        %ge3A_307 = arith.constant 1 : i32
        %ge3A_308 = vector.broadcast %ge3A_307 : i32 to vector<16xi32>
        %ge3A_309 = arith.cmpi sge, %get3A_298, %ge3A_308 : vector<16xi32>
        %and3A_310 = arith.andi %lt3A_306, %ge3A_309 : vector<16xi1>
        %broadcast_in_dim3A_311 = arith.constant 0.000000e+00 : f32
        %broadcast_in_dim3A_312 = vector.broadcast %broadcast_in_dim3A_311 : f32 to vector<16xf32>
        tpu.vector_store_idx %arg5[%broadcast_in_dim3A_300, %add3A_292, %sub3A_303], %broadcast_in_dim3A_312 masked %and3A_310 : memref<1x50x999xf32, #tpu.memory_space<vmem>>[vector<16xi32>, vector<16xi32>, vector<16xi32>], vector<16xf32>, vector<16xi1>
        %iota3A_313 = tpu.iota {dimensions = array<i32: 0>} : vector<16xi32>
        %add3A_314 = arith.constant 32 : i32
        %add3A_315 = vector.broadcast %add3A_314 : i32 to vector<16xi32>
        %add3A_316 = arith.addi %iota3A_313, %add3A_315 : vector<16xi32>
        %mul3A_317 = arith.constant 50 : i32
        %mul3A_318 = arith.muli %sub3A_264, %mul3A_317 : i32
        %add3A_319 = arith.constant 32 : i32
        %add3A_320 = arith.addi %mul3A_318, %add3A_319 : i32
        %get3A_321 = arith.index_cast %add3A_320 : i32 to index
        %get3A_322 = tpu.vector_load %arg4[%get3A_321] {strides = array<i32>} : memref<1616xi32, #tpu.memory_space<vmem>>, vector<16xi32>,
        %broadcast_in_dim3A_323 = arith.constant 0 : i32
        %broadcast_in_dim3A_324 = vector.broadcast %broadcast_in_dim3A_323 : i32 to vector<16xi32>
        %sub3A_325 = arith.constant 1 : i32
        %sub3A_326 = vector.broadcast %sub3A_325 : i32 to vector<16xi32>
        %sub3A_327 = arith.subi %get3A_322, %sub3A_326 : vector<16xi32>
        %lt3A_328 = arith.constant 50 : i32
        %lt3A_329 = vector.broadcast %lt3A_328 : i32 to vector<16xi32>
        %lt3A_330 = arith.cmpi slt, %add3A_316, %lt3A_329 : vector<16xi32>
        %ge3A_331 = arith.constant 1 : i32
        %ge3A_332 = vector.broadcast %ge3A_331 : i32 to vector<16xi32>
        %ge3A_333 = arith.cmpi sge, %get3A_322, %ge3A_332 : vector<16xi32>
        %and3A_334 = arith.andi %lt3A_330, %ge3A_333 : vector<16xi1>
        %broadcast_in_dim3A_335 = arith.constant 0.000000e+00 : f32
        %broadcast_in_dim3A_336 = vector.broadcast %broadcast_in_dim3A_335 : f32 to vector<16xf32>
        tpu.vector_store_idx %arg5[%broadcast_in_dim3A_324, %add3A_316, %sub3A_327], %broadcast_in_dim3A_336 masked %and3A_334 : memref<1x50x999xf32, #tpu.memory_space<vmem>>[vector<16xi32>, vector<16xi32>, vector<16xi32>], vector<16xf32>, vector<16xi1>
        %iota3A_337 = tpu.iota {dimensions = array<i32: 0>} : vector<16xi32>
        %add3A_338 = arith.constant 48 : i32
        %add3A_339 = vector.broadcast %add3A_338 : i32 to vector<16xi32>
        %add3A_340 = arith.addi %iota3A_337, %add3A_339 : vector<16xi32>
        %mul3A_341 = arith.constant 50 : i32
        %mul3A_342 = arith.muli %sub3A_264, %mul3A_341 : i32
        %add3A_343 = arith.constant 48 : i32
        %add3A_344 = arith.addi %mul3A_342, %add3A_343 : i32
        %get3A_345 = arith.index_cast %add3A_344 : i32 to index
        %get3A_346 = tpu.vector_load %arg4[%get3A_345] {strides = array<i32>} : memref<1616xi32, #tpu.memory_space<vmem>>, vector<16xi32>,
        %broadcast_in_dim3A_347 = arith.constant 0 : i32
        %broadcast_in_dim3A_348 = vector.broadcast %broadcast_in_dim3A_347 : i32 to vector<16xi32>
        %sub3A_349 = arith.constant 1 : i32
        %sub3A_350 = vector.broadcast %sub3A_349 : i32 to vector<16xi32>
        %sub3A_351 = arith.subi %get3A_346, %sub3A_350 : vector<16xi32>
        %lt3A_352 = arith.constant 50 : i32
        %lt3A_353 = vector.broadcast %lt3A_352 : i32 to vector<16xi32>
        %lt3A_354 = arith.cmpi slt, %add3A_340, %lt3A_353 : vector<16xi32>
        %ge3A_355 = arith.constant 1 : i32
        %ge3A_356 = vector.broadcast %ge3A_355 : i32 to vector<16xi32>
        %ge3A_357 = arith.cmpi sge, %get3A_346, %ge3A_356 : vector<16xi32>
        %and3A_358 = arith.andi %lt3A_354, %ge3A_357 : vector<16xi1>
        %broadcast_in_dim3A_359 = arith.constant 0.000000e+00 : f32
        %broadcast_in_dim3A_360 = vector.broadcast %broadcast_in_dim3A_359 : f32 to vector<16xf32>
        tpu.vector_store_idx %arg5[%broadcast_in_dim3A_348, %add3A_340, %sub3A_351], %broadcast_in_dim3A_360 masked %and3A_358 : memref<1x50x999xf32, #tpu.memory_space<vmem>>[vector<16xi32>, vector<16xi32>, vector<16xi32>], vector<16xf32>, vector<16xi1>
      } else {
      }
      %iota3A = tpu.iota {dimensions = array<i32: 0>} : vector<16xi32>
      %add3A_43 = arith.constant 0 : i32
      %add3A_44 = vector.broadcast %add3A_43 : i32 to vector<16xi32>
      %add3A_45 = arith.addi %iota3A, %add3A_44 : vector<16xi32>
      %mul3A_46 = arith.constant 50 : i32
      %mul3A_47 = arith.muli %mul3A_40, %mul3A_46 : i32
      %add3A_48 = arith.constant 0 : i32
      %add3A_49 = arith.addi %mul3A_47, %add3A_48 : i32
      %get3A = arith.index_cast %add3A_49 : i32 to index
      %get3A_50 = tpu.vector_load %arg4[%get3A] {strides = array<i32>} : memref<1616xi32, #tpu.memory_space<vmem>>, vector<16xi32>,
      %broadcast_in_dim3A_51 = arith.constant 0 : i32
      %broadcast_in_dim3A_52 = vector.broadcast %broadcast_in_dim3A_51 : i32 to vector<16xi32>
      %sub3A_53 = arith.constant 1 : i32
      %sub3A_54 = vector.broadcast %sub3A_53 : i32 to vector<16xi32>
      %sub3A_55 = arith.subi %get3A_50, %sub3A_54 : vector<16xi32>
      %lt3A = arith.constant 50 : i32
      %lt3A_56 = vector.broadcast %lt3A : i32 to vector<16xi32>
      %lt3A_57 = arith.cmpi slt, %add3A_45, %lt3A_56 : vector<16xi32>
      %ge3A_58 = arith.constant 1 : i32
      %ge3A_59 = vector.broadcast %ge3A_58 : i32 to vector<16xi32>
      %ge3A_60 = arith.cmpi sge, %get3A_50, %ge3A_59 : vector<16xi32>
      %and3A = arith.andi %lt3A_57, %ge3A_60 : vector<16xi1>
      %broadcast_in_dim3A_61 = arith.constant 1.000000e+00 : f32
      %broadcast_in_dim3A_62 = vector.broadcast %broadcast_in_dim3A_61 : f32 to vector<16xf32>
      tpu.vector_store_idx %arg5[%broadcast_in_dim3A_52, %add3A_45, %sub3A_55], %broadcast_in_dim3A_62 masked %and3A : memref<1x50x999xf32, #tpu.memory_space<vmem>>[vector<16xi32>, vector<16xi32>, vector<16xi32>], vector<16xf32>, vector<16xi1>
      %iota3A_63 = tpu.iota {dimensions = array<i32: 0>} : vector<16xi32>
      %add3A_64 = arith.constant 16 : i32
      %add3A_65 = vector.broadcast %add3A_64 : i32 to vector<16xi32>
      %add3A_66 = arith.addi %iota3A_63, %add3A_65 : vector<16xi32>
      %mul3A_67 = arith.constant 50 : i32
      %mul3A_68 = arith.muli %mul3A_40, %mul3A_67 : i32
      %add3A_69 = arith.constant 16 : i32
      %add3A_70 = arith.addi %mul3A_68, %add3A_69 : i32
      %get3A_71 = arith.index_cast %add3A_70 : i32 to index
      %get3A_72 = tpu.vector_load %arg4[%get3A_71] {strides = array<i32>} : memref<1616xi32, #tpu.memory_space<vmem>>, vector<16xi32>,
      %broadcast_in_dim3A_73 = arith.constant 0 : i32
      %broadcast_in_dim3A_74 = vector.broadcast %broadcast_in_dim3A_73 : i32 to vector<16xi32>
      %sub3A_75 = arith.constant 1 : i32
      %sub3A_76 = vector.broadcast %sub3A_75 : i32 to vector<16xi32>
      %sub3A_77 = arith.subi %get3A_72, %sub3A_76 : vector<16xi32>
      %lt3A_78 = arith.constant 50 : i32
      %lt3A_79 = vector.broadcast %lt3A_78 : i32 to vector<16xi32>
      %lt3A_80 = arith.cmpi slt, %add3A_66, %lt3A_79 : vector<16xi32>
      %ge3A_81 = arith.constant 1 : i32
      %ge3A_82 = vector.broadcast %ge3A_81 : i32 to vector<16xi32>
      %ge3A_83 = arith.cmpi sge, %get3A_72, %ge3A_82 : vector<16xi32>
      %and3A_84 = arith.andi %lt3A_80, %ge3A_83 : vector<16xi1>
      %broadcast_in_dim3A_85 = arith.constant 1.000000e+00 : f32
      %broadcast_in_dim3A_86 = vector.broadcast %broadcast_in_dim3A_85 : f32 to vector<16xf32>
      tpu.vector_store_idx %arg5[%broadcast_in_dim3A_74, %add3A_66, %sub3A_77], %broadcast_in_dim3A_86 masked %and3A_84 : memref<1x50x999xf32, #tpu.memory_space<vmem>>[vector<16xi32>, vector<16xi32>, vector<16xi32>], vector<16xf32>, vector<16xi1>
      %iota3A_87 = tpu.iota {dimensions = array<i32: 0>} : vector<16xi32>
      %add3A_88 = arith.constant 32 : i32
      %add3A_89 = vector.broadcast %add3A_88 : i32 to vector<16xi32>
      %add3A_90 = arith.addi %iota3A_87, %add3A_89 : vector<16xi32>
      %mul3A_91 = arith.constant 50 : i32
      %mul3A_92 = arith.muli %mul3A_40, %mul3A_91 : i32
      %add3A_93 = arith.constant 32 : i32
      %add3A_94 = arith.addi %mul3A_92, %add3A_93 : i32
      %get3A_95 = arith.index_cast %add3A_94 : i32 to index
      %get3A_96 = tpu.vector_load %arg4[%get3A_95] {strides = array<i32>} : memref<1616xi32, #tpu.memory_space<vmem>>, vector<16xi32>,
      %broadcast_in_dim3A_97 = arith.constant 0 : i32
      %broadcast_in_dim3A_98 = vector.broadcast %broadcast_in_dim3A_97 : i32 to vector<16xi32>
      %sub3A_99 = arith.constant 1 : i32
      %sub3A_100 = vector.broadcast %sub3A_99 : i32 to vector<16xi32>
      %sub3A_101 = arith.subi %get3A_96, %sub3A_100 : vector<16xi32>
      %lt3A_102 = arith.constant 50 : i32
      %lt3A_103 = vector.broadcast %lt3A_102 : i32 to vector<16xi32>
      %lt3A_104 = arith.cmpi slt, %add3A_90, %lt3A_103 : vector<16xi32>
      %ge3A_105 = arith.constant 1 : i32
      %ge3A_106 = vector.broadcast %ge3A_105 : i32 to vector<16xi32>
      %ge3A_107 = arith.cmpi sge, %get3A_96, %ge3A_106 : vector<16xi32>
      %and3A_108 = arith.andi %lt3A_104, %ge3A_107 : vector<16xi1>
      %broadcast_in_dim3A_109 = arith.constant 1.000000e+00 : f32
      %broadcast_in_dim3A_110 = vector.broadcast %broadcast_in_dim3A_109 : f32 to vector<16xf32>
      tpu.vector_store_idx %arg5[%broadcast_in_dim3A_98, %add3A_90, %sub3A_101], %broadcast_in_dim3A_110 masked %and3A_108 : memref<1x50x999xf32, #tpu.memory_space<vmem>>[vector<16xi32>, vector<16xi32>, vector<16xi32>], vector<16xf32>, vector<16xi1>
      %iota3A_111 = tpu.iota {dimensions = array<i32: 0>} : vector<16xi32>
      %add3A_112 = arith.constant 48 : i32
      %add3A_113 = vector.broadcast %add3A_112 : i32 to vector<16xi32>
      %add3A_114 = arith.addi %iota3A_111, %add3A_113 : vector<16xi32>
      %mul3A_115 = arith.constant 50 : i32
      %mul3A_116 = arith.muli %mul3A_40, %mul3A_115 : i32
      %add3A_117 = arith.constant 48 : i32
      %add3A_118 = arith.addi %mul3A_116, %add3A_117 : i32
      %get3A_119 = arith.index_cast %add3A_118 : i32 to index
      %get3A_120 = tpu.vector_load %arg4[%get3A_119] {strides = array<i32>} : memref<1616xi32, #tpu.memory_space<vmem>>, vector<16xi32>,
      %broadcast_in_dim3A_121 = arith.constant 0 : i32
      %broadcast_in_dim3A_122 = vector.broadcast %broadcast_in_dim3A_121 : i32 to vector<16xi32>
      %sub3A_123 = arith.constant 1 : i32
      %sub3A_124 = vector.broadcast %sub3A_123 : i32 to vector<16xi32>
      %sub3A_125 = arith.subi %get3A_120, %sub3A_124 : vector<16xi32>
      %lt3A_126 = arith.constant 50 : i32
      %lt3A_127 = vector.broadcast %lt3A_126 : i32 to vector<16xi32>
      %lt3A_128 = arith.cmpi slt, %add3A_114, %lt3A_127 : vector<16xi32>
      %ge3A_129 = arith.constant 1 : i32
      %ge3A_130 = vector.broadcast %ge3A_129 : i32 to vector<16xi32>
      %ge3A_131 = arith.cmpi sge, %get3A_120, %ge3A_130 : vector<16xi32>
      %and3A_132 = arith.andi %lt3A_128, %ge3A_131 : vector<16xi1>
      %broadcast_in_dim3A_133 = arith.constant 1.000000e+00 : f32
      %broadcast_in_dim3A_134 = vector.broadcast %broadcast_in_dim3A_133 : f32 to vector<16xf32>
      tpu.vector_store_idx %arg5[%broadcast_in_dim3A_122, %add3A_114, %sub3A_125], %broadcast_in_dim3A_134 masked %and3A_132 : memref<1x50x999xf32, #tpu.memory_space<vmem>>[vector<16xi32>, vector<16xi32>, vector<16xi32>], vector<16xf32>, vector<16xi1>
      %add3A_135 = arith.addi %mul3A_2, %mul3A_40 : i32
      %dma_start3A = arith.constant 0 : i32
      %dma_start3A_136 = arith.constant 0 : i32
      %dma_start3A_137 = tpu.memref_slice %arg3[%add3A_135, %dma_start3A, %dma_start3A_136] : memref<1024x50x999xf32, #tpu.memory_space<hbm>> -> memref<1x50x999xf32, #tpu.memory_space<hbm>>
      %dma_start3A_138 = arith.constant 0 : i32
      %dma_start3A_139 = arith.constant 0 : i32
      %dma_start3A_140 = tpu.memref_slice %arg3[%add3A_135, %dma_start3A_138, %dma_start3A_139] : memref<1024x50x999xf32, #tpu.memory_space<hbm>> -> memref<1x50x999xf32, #tpu.memory_space<hbm>>
      tpu.enqueue_dma source(%arg5 : memref<1x50x999xf32, #tpu.memory_space<vmem>>) target(%dma_start3A_140 : memref<1x50x999xf32, #tpu.memory_space<hbm>>) target_semaphore(%arg7 : memref<!tpu.dma_semaphore, #tpu.memory_space<semaphore_mem>>)
      %mul3A_141 = arith.constant 2 : i32
      %mul3A_142 = arith.muli %mul3A_141, %scan3A_37 : i32
      %add3A_143 = arith.constant 1 : i32
      %add3A_144 = arith.addi %mul3A_142, %add3A_143 : i32
      %ge3A_145 = arith.constant 2 : i32
      %ge3A_146 = arith.cmpi sge, %add3A_144, %ge3A_145 : i32
      %convert_element_type3A_147 = arith.extui %ge3A_146 : i1 to i32
      %cond3A_148 = arith.constant 0 : i32
      %cond3A_149 = arith.cmpi ne, %convert_element_type3A_147, %cond3A_148 : i32
      scf.if %cond3A_149 {
        %add3A_254 = arith.addi %mul3A_2, %add3A_144 : i32
        %sub3A_255 = arith.constant 2 : i32
        %sub3A_256 = arith.subi %add3A_254, %sub3A_255 : i32
        %dma_wait3A_257 = arith.constant 0 : i32
        %dma_wait3A_258 = arith.constant 0 : i32
        %dma_wait3A_259 = tpu.memref_slice %arg3[%sub3A_256, %dma_wait3A_257, %dma_wait3A_258] : memref<1024x50x999xf32, #tpu.memory_space<hbm>> -> memref<1x50x999xf32, #tpu.memory_space<hbm>>
        %dma_wait3A_260 = arith.constant 0 : i32
        %dma_wait3A_261 = arith.constant 0 : i32
        %dma_wait3A_262 = tpu.memref_slice %arg3[%sub3A_256, %dma_wait3A_260, %dma_wait3A_261] : memref<1024x50x999xf32, #tpu.memory_space<hbm>> -> memref<1x50x999xf32, #tpu.memory_space<hbm>>
        tpu.wait_dma2 semaphore(%arg8 : memref<!tpu.dma_semaphore, #tpu.memory_space<semaphore_mem>>) src(%arg6 : memref<1x50x999xf32, #tpu.memory_space<vmem>>) dst(%dma_wait3A_262 : memref<1x50x999xf32, #tpu.memory_space<hbm>>)
        %sub3A_263 = arith.constant 2 : i32
        %sub3A_264 = arith.subi %add3A_144, %sub3A_263 : i32
        %iota3A_265 = tpu.iota {dimensions = array<i32: 0>} : vector<16xi32>
        %add3A_266 = arith.constant 0 : i32
        %add3A_267 = vector.broadcast %add3A_266 : i32 to vector<16xi32>
        %add3A_268 = arith.addi %iota3A_265, %add3A_267 : vector<16xi32>
        %mul3A_269 = arith.constant 50 : i32
        %mul3A_270 = arith.muli %sub3A_264, %mul3A_269 : i32
        %add3A_271 = arith.constant 0 : i32
        %add3A_272 = arith.addi %mul3A_270, %add3A_271 : i32
        %get3A_273 = arith.index_cast %add3A_272 : i32 to index
        %get3A_274 = tpu.vector_load %arg4[%get3A_273] {strides = array<i32>} : memref<1616xi32, #tpu.memory_space<vmem>>, vector<16xi32>,
        %broadcast_in_dim3A_275 = arith.constant 0 : i32
        %broadcast_in_dim3A_276 = vector.broadcast %broadcast_in_dim3A_275 : i32 to vector<16xi32>
        %sub3A_277 = arith.constant 1 : i32
        %sub3A_278 = vector.broadcast %sub3A_277 : i32 to vector<16xi32>
        %sub3A_279 = arith.subi %get3A_274, %sub3A_278 : vector<16xi32>
        %lt3A_280 = arith.constant 50 : i32
        %lt3A_281 = vector.broadcast %lt3A_280 : i32 to vector<16xi32>
        %lt3A_282 = arith.cmpi slt, %add3A_268, %lt3A_281 : vector<16xi32>
        %ge3A_283 = arith.constant 1 : i32
        %ge3A_284 = vector.broadcast %ge3A_283 : i32 to vector<16xi32>
        %ge3A_285 = arith.cmpi sge, %get3A_274, %ge3A_284 : vector<16xi32>
        %and3A_286 = arith.andi %lt3A_282, %ge3A_285 : vector<16xi1>
        %broadcast_in_dim3A_287 = arith.constant 0.000000e+00 : f32
        %broadcast_in_dim3A_288 = vector.broadcast %broadcast_in_dim3A_287 : f32 to vector<16xf32>
        tpu.vector_store_idx %arg6[%broadcast_in_dim3A_276, %add3A_268, %sub3A_279], %broadcast_in_dim3A_288 masked %and3A_286 : memref<1x50x999xf32, #tpu.memory_space<vmem>>[vector<16xi32>, vector<16xi32>, vector<16xi32>], vector<16xf32>, vector<16xi1>
        %iota3A_289 = tpu.iota {dimensions = array<i32: 0>} : vector<16xi32>
        %add3A_290 = arith.constant 16 : i32
        %add3A_291 = vector.broadcast %add3A_290 : i32 to vector<16xi32>
        %add3A_292 = arith.addi %iota3A_289, %add3A_291 : vector<16xi32>
        %mul3A_293 = arith.constant 50 : i32
        %mul3A_294 = arith.muli %sub3A_264, %mul3A_293 : i32
        %add3A_295 = arith.constant 16 : i32
        %add3A_296 = arith.addi %mul3A_294, %add3A_295 : i32
        %get3A_297 = arith.index_cast %add3A_296 : i32 to index
        %get3A_298 = tpu.vector_load %arg4[%get3A_297] {strides = array<i32>} : memref<1616xi32, #tpu.memory_space<vmem>>, vector<16xi32>,
        %broadcast_in_dim3A_299 = arith.constant 0 : i32
        %broadcast_in_dim3A_300 = vector.broadcast %broadcast_in_dim3A_299 : i32 to vector<16xi32>
        %sub3A_301 = arith.constant 1 : i32
        %sub3A_302 = vector.broadcast %sub3A_301 : i32 to vector<16xi32>
        %sub3A_303 = arith.subi %get3A_298, %sub3A_302 : vector<16xi32>
        %lt3A_304 = arith.constant 50 : i32
        %lt3A_305 = vector.broadcast %lt3A_304 : i32 to vector<16xi32>
        %lt3A_306 = arith.cmpi slt, %add3A_292, %lt3A_305 : vector<16xi32>
        %ge3A_307 = arith.constant 1 : i32
        %ge3A_308 = vector.broadcast %ge3A_307 : i32 to vector<16xi32>
        %ge3A_309 = arith.cmpi sge, %get3A_298, %ge3A_308 : vector<16xi32>
        %and3A_310 = arith.andi %lt3A_306, %ge3A_309 : vector<16xi1>
        %broadcast_in_dim3A_311 = arith.constant 0.000000e+00 : f32
        %broadcast_in_dim3A_312 = vector.broadcast %broadcast_in_dim3A_311 : f32 to vector<16xf32>
        tpu.vector_store_idx %arg6[%broadcast_in_dim3A_300, %add3A_292, %sub3A_303], %broadcast_in_dim3A_312 masked %and3A_310 : memref<1x50x999xf32, #tpu.memory_space<vmem>>[vector<16xi32>, vector<16xi32>, vector<16xi32>], vector<16xf32>, vector<16xi1>
        %iota3A_313 = tpu.iota {dimensions = array<i32: 0>} : vector<16xi32>
        %add3A_314 = arith.constant 32 : i32
        %add3A_315 = vector.broadcast %add3A_314 : i32 to vector<16xi32>
        %add3A_316 = arith.addi %iota3A_313, %add3A_315 : vector<16xi32>
        %mul3A_317 = arith.constant 50 : i32
        %mul3A_318 = arith.muli %sub3A_264, %mul3A_317 : i32
        %add3A_319 = arith.constant 32 : i32
        %add3A_320 = arith.addi %mul3A_318, %add3A_319 : i32
        %get3A_321 = arith.index_cast %add3A_320 : i32 to index
        %get3A_322 = tpu.vector_load %arg4[%get3A_321] {strides = array<i32>} : memref<1616xi32, #tpu.memory_space<vmem>>, vector<16xi32>,
        %broadcast_in_dim3A_323 = arith.constant 0 : i32
        %broadcast_in_dim3A_324 = vector.broadcast %broadcast_in_dim3A_323 : i32 to vector<16xi32>
        %sub3A_325 = arith.constant 1 : i32
        %sub3A_326 = vector.broadcast %sub3A_325 : i32 to vector<16xi32>
        %sub3A_327 = arith.subi %get3A_322, %sub3A_326 : vector<16xi32>
        %lt3A_328 = arith.constant 50 : i32
        %lt3A_329 = vector.broadcast %lt3A_328 : i32 to vector<16xi32>
        %lt3A_330 = arith.cmpi slt, %add3A_316, %lt3A_329 : vector<16xi32>
        %ge3A_331 = arith.constant 1 : i32
        %ge3A_332 = vector.broadcast %ge3A_331 : i32 to vector<16xi32>
        %ge3A_333 = arith.cmpi sge, %get3A_322, %ge3A_332 : vector<16xi32>
        %and3A_334 = arith.andi %lt3A_330, %ge3A_333 : vector<16xi1>
        %broadcast_in_dim3A_335 = arith.constant 0.000000e+00 : f32
        %broadcast_in_dim3A_336 = vector.broadcast %broadcast_in_dim3A_335 : f32 to vector<16xf32>
        tpu.vector_store_idx %arg6[%broadcast_in_dim3A_324, %add3A_316, %sub3A_327], %broadcast_in_dim3A_336 masked %and3A_334 : memref<1x50x999xf32, #tpu.memory_space<vmem>>[vector<16xi32>, vector<16xi32>, vector<16xi32>], vector<16xf32>, vector<16xi1>
        %iota3A_337 = tpu.iota {dimensions = array<i32: 0>} : vector<16xi32>
        %add3A_338 = arith.constant 48 : i32
        %add3A_339 = vector.broadcast %add3A_338 : i32 to vector<16xi32>
        %add3A_340 = arith.addi %iota3A_337, %add3A_339 : vector<16xi32>
        %mul3A_341 = arith.constant 50 : i32
        %mul3A_342 = arith.muli %sub3A_264, %mul3A_341 : i32
        %add3A_343 = arith.constant 48 : i32
        %add3A_344 = arith.addi %mul3A_342, %add3A_343 : i32
        %get3A_345 = arith.index_cast %add3A_344 : i32 to index
        %get3A_346 = tpu.vector_load %arg4[%get3A_345] {strides = array<i32>} : memref<1616xi32, #tpu.memory_space<vmem>>, vector<16xi32>,
        %broadcast_in_dim3A_347 = arith.constant 0 : i32
        %broadcast_in_dim3A_348 = vector.broadcast %broadcast_in_dim3A_347 : i32 to vector<16xi32>
        %sub3A_349 = arith.constant 1 : i32
        %sub3A_350 = vector.broadcast %sub3A_349 : i32 to vector<16xi32>
        %sub3A_351 = arith.subi %get3A_346, %sub3A_350 : vector<16xi32>
        %lt3A_352 = arith.constant 50 : i32
        %lt3A_353 = vector.broadcast %lt3A_352 : i32 to vector<16xi32>
        %lt3A_354 = arith.cmpi slt, %add3A_340, %lt3A_353 : vector<16xi32>
        %ge3A_355 = arith.constant 1 : i32
        %ge3A_356 = vector.broadcast %ge3A_355 : i32 to vector<16xi32>
        %ge3A_357 = arith.cmpi sge, %get3A_346, %ge3A_356 : vector<16xi32>
        %and3A_358 = arith.andi %lt3A_354, %ge3A_357 : vector<16xi1>
        %broadcast_in_dim3A_359 = arith.constant 0.000000e+00 : f32
        %broadcast_in_dim3A_360 = vector.broadcast %broadcast_in_dim3A_359 : f32 to vector<16xf32>
        tpu.vector_store_idx %arg6[%broadcast_in_dim3A_348, %add3A_340, %sub3A_351], %broadcast_in_dim3A_360 masked %and3A_358 : memref<1x50x999xf32, #tpu.memory_space<vmem>>[vector<16xi32>, vector<16xi32>, vector<16xi32>], vector<16xf32>, vector<16xi1>
      } else {
      }
      %iota3A_150 = tpu.iota {dimensions = array<i32: 0>} : vector<16xi32>
      %add3A_151 = arith.constant 0 : i32
      %add3A_152 = vector.broadcast %add3A_151 : i32 to vector<16xi32>
      %add3A_153 = arith.addi %iota3A_150, %add3A_152 : vector<16xi32>
      %mul3A_154 = arith.constant 50 : i32
      %mul3A_155 = arith.muli %add3A_144, %mul3A_154 : i32
      %add3A_156 = arith.constant 0 : i32
      %add3A_157 = arith.addi %mul3A_155, %add3A_156 : i32
      %get3A_158 = arith.index_cast %add3A_157 : i32 to index
      %get3A_159 = tpu.vector_load %arg4[%get3A_158] {strides = array<i32>} : memref<1616xi32, #tpu.memory_space<vmem>>, vector<16xi32>,
      %broadcast_in_dim3A_160 = arith.constant 0 : i32
      %broadcast_in_dim3A_161 = vector.broadcast %broadcast_in_dim3A_160 : i32 to vector<16xi32>
      %sub3A_162 = arith.constant 1 : i32
      %sub3A_163 = vector.broadcast %sub3A_162 : i32 to vector<16xi32>
      %sub3A_164 = arith.subi %get3A_159, %sub3A_163 : vector<16xi32>
      %lt3A_165 = arith.constant 50 : i32
      %lt3A_166 = vector.broadcast %lt3A_165 : i32 to vector<16xi32>
      %lt3A_167 = arith.cmpi slt, %add3A_153, %lt3A_166 : vector<16xi32>
      %ge3A_168 = arith.constant 1 : i32
      %ge3A_169 = vector.broadcast %ge3A_168 : i32 to vector<16xi32>
      %ge3A_170 = arith.cmpi sge, %get3A_159, %ge3A_169 : vector<16xi32>
      %and3A_171 = arith.andi %lt3A_167, %ge3A_170 : vector<16xi1>
      %broadcast_in_dim3A_172 = arith.constant 1.000000e+00 : f32
      %broadcast_in_dim3A_173 = vector.broadcast %broadcast_in_dim3A_172 : f32 to vector<16xf32>
      tpu.vector_store_idx %arg6[%broadcast_in_dim3A_161, %add3A_153, %sub3A_164], %broadcast_in_dim3A_173 masked %and3A_171 : memref<1x50x999xf32, #tpu.memory_space<vmem>>[vector<16xi32>, vector<16xi32>, vector<16xi32>], vector<16xf32>, vector<16xi1>
      %iota3A_174 = tpu.iota {dimensions = array<i32: 0>} : vector<16xi32>
      %add3A_175 = arith.constant 16 : i32
      %add3A_176 = vector.broadcast %add3A_175 : i32 to vector<16xi32>
      %add3A_177 = arith.addi %iota3A_174, %add3A_176 : vector<16xi32>
      %mul3A_178 = arith.constant 50 : i32
      %mul3A_179 = arith.muli %add3A_144, %mul3A_178 : i32
      %add3A_180 = arith.constant 16 : i32
      %add3A_181 = arith.addi %mul3A_179, %add3A_180 : i32
      %get3A_182 = arith.index_cast %add3A_181 : i32 to index
      %get3A_183 = tpu.vector_load %arg4[%get3A_182] {strides = array<i32>} : memref<1616xi32, #tpu.memory_space<vmem>>, vector<16xi32>,
      %broadcast_in_dim3A_184 = arith.constant 0 : i32
      %broadcast_in_dim3A_185 = vector.broadcast %broadcast_in_dim3A_184 : i32 to vector<16xi32>
      %sub3A_186 = arith.constant 1 : i32
      %sub3A_187 = vector.broadcast %sub3A_186 : i32 to vector<16xi32>
      %sub3A_188 = arith.subi %get3A_183, %sub3A_187 : vector<16xi32>
      %lt3A_189 = arith.constant 50 : i32
      %lt3A_190 = vector.broadcast %lt3A_189 : i32 to vector<16xi32>
      %lt3A_191 = arith.cmpi slt, %add3A_177, %lt3A_190 : vector<16xi32>
      %ge3A_192 = arith.constant 1 : i32
      %ge3A_193 = vector.broadcast %ge3A_192 : i32 to vector<16xi32>
      %ge3A_194 = arith.cmpi sge, %get3A_183, %ge3A_193 : vector<16xi32>
      %and3A_195 = arith.andi %lt3A_191, %ge3A_194 : vector<16xi1>
      %broadcast_in_dim3A_196 = arith.constant 1.000000e+00 : f32
      %broadcast_in_dim3A_197 = vector.broadcast %broadcast_in_dim3A_196 : f32 to vector<16xf32>
      tpu.vector_store_idx %arg6[%broadcast_in_dim3A_185, %add3A_177, %sub3A_188], %broadcast_in_dim3A_197 masked %and3A_195 : memref<1x50x999xf32, #tpu.memory_space<vmem>>[vector<16xi32>, vector<16xi32>, vector<16xi32>], vector<16xf32>, vector<16xi1>
      %iota3A_198 = tpu.iota {dimensions = array<i32: 0>} : vector<16xi32>
      %add3A_199 = arith.constant 32 : i32
      %add3A_200 = vector.broadcast %add3A_199 : i32 to vector<16xi32>
      %add3A_201 = arith.addi %iota3A_198, %add3A_200 : vector<16xi32>
      %mul3A_202 = arith.constant 50 : i32
      %mul3A_203 = arith.muli %add3A_144, %mul3A_202 : i32
      %add3A_204 = arith.constant 32 : i32
      %add3A_205 = arith.addi %mul3A_203, %add3A_204 : i32
      %get3A_206 = arith.index_cast %add3A_205 : i32 to index
      %get3A_207 = tpu.vector_load %arg4[%get3A_206] {strides = array<i32>} : memref<1616xi32, #tpu.memory_space<vmem>>, vector<16xi32>,
      %broadcast_in_dim3A_208 = arith.constant 0 : i32
      %broadcast_in_dim3A_209 = vector.broadcast %broadcast_in_dim3A_208 : i32 to vector<16xi32>
      %sub3A_210 = arith.constant 1 : i32
      %sub3A_211 = vector.broadcast %sub3A_210 : i32 to vector<16xi32>
      %sub3A_212 = arith.subi %get3A_207, %sub3A_211 : vector<16xi32>
      %lt3A_213 = arith.constant 50 : i32
      %lt3A_214 = vector.broadcast %lt3A_213 : i32 to vector<16xi32>
      %lt3A_215 = arith.cmpi slt, %add3A_201, %lt3A_214 : vector<16xi32>
      %ge3A_216 = arith.constant 1 : i32
      %ge3A_217 = vector.broadcast %ge3A_216 : i32 to vector<16xi32>
      %ge3A_218 = arith.cmpi sge, %get3A_207, %ge3A_217 : vector<16xi32>
      %and3A_219 = arith.andi %lt3A_215, %ge3A_218 : vector<16xi1>
      %broadcast_in_dim3A_220 = arith.constant 1.000000e+00 : f32
      %broadcast_in_dim3A_221 = vector.broadcast %broadcast_in_dim3A_220 : f32 to vector<16xf32>
      tpu.vector_store_idx %arg6[%broadcast_in_dim3A_209, %add3A_201, %sub3A_212], %broadcast_in_dim3A_221 masked %and3A_219 : memref<1x50x999xf32, #tpu.memory_space<vmem>>[vector<16xi32>, vector<16xi32>, vector<16xi32>], vector<16xf32>, vector<16xi1>
      %iota3A_222 = tpu.iota {dimensions = array<i32: 0>} : vector<16xi32>
      %add3A_223 = arith.constant 48 : i32
      %add3A_224 = vector.broadcast %add3A_223 : i32 to vector<16xi32>
      %add3A_225 = arith.addi %iota3A_222, %add3A_224 : vector<16xi32>
      %mul3A_226 = arith.constant 50 : i32
      %mul3A_227 = arith.muli %add3A_144, %mul3A_226 : i32
      %add3A_228 = arith.constant 48 : i32
      %add3A_229 = arith.addi %mul3A_227, %add3A_228 : i32
      %get3A_230 = arith.index_cast %add3A_229 : i32 to index
      %get3A_231 = tpu.vector_load %arg4[%get3A_230] {strides = array<i32>} : memref<1616xi32, #tpu.memory_space<vmem>>, vector<16xi32>,
      %broadcast_in_dim3A_232 = arith.constant 0 : i32
      %broadcast_in_dim3A_233 = vector.broadcast %broadcast_in_dim3A_232 : i32 to vector<16xi32>
      %sub3A_234 = arith.constant 1 : i32
      %sub3A_235 = vector.broadcast %sub3A_234 : i32 to vector<16xi32>
      %sub3A_236 = arith.subi %get3A_231, %sub3A_235 : vector<16xi32>
      %lt3A_237 = arith.constant 50 : i32
      %lt3A_238 = vector.broadcast %lt3A_237 : i32 to vector<16xi32>
      %lt3A_239 = arith.cmpi slt, %add3A_225, %lt3A_238 : vector<16xi32>
      %ge3A_240 = arith.constant 1 : i32
      %ge3A_241 = vector.broadcast %ge3A_240 : i32 to vector<16xi32>
      %ge3A_242 = arith.cmpi sge, %get3A_231, %ge3A_241 : vector<16xi32>
      %and3A_243 = arith.andi %lt3A_239, %ge3A_242 : vector<16xi1>
      %broadcast_in_dim3A_244 = arith.constant 1.000000e+00 : f32
      %broadcast_in_dim3A_245 = vector.broadcast %broadcast_in_dim3A_244 : f32 to vector<16xf32>
      tpu.vector_store_idx %arg6[%broadcast_in_dim3A_233, %add3A_225, %sub3A_236], %broadcast_in_dim3A_245 masked %and3A_243 : memref<1x50x999xf32, #tpu.memory_space<vmem>>[vector<16xi32>, vector<16xi32>, vector<16xi32>], vector<16xf32>, vector<16xi1>
      %add3A_246 = arith.addi %mul3A_2, %add3A_144 : i32
      %dma_start3A_247 = arith.constant 0 : i32
      %dma_start3A_248 = arith.constant 0 : i32
      %dma_start3A_249 = tpu.memref_slice %arg3[%add3A_246, %dma_start3A_247, %dma_start3A_248] : memref<1024x50x999xf32, #tpu.memory_space<hbm>> -> memref<1x50x999xf32, #tpu.memory_space<hbm>>
      %dma_start3A_250 = arith.constant 0 : i32
      %dma_start3A_251 = arith.constant 0 : i32
      %dma_start3A_252 = tpu.memref_slice %arg3[%add3A_246, %dma_start3A_250, %dma_start3A_251] : memref<1024x50x999xf32, #tpu.memory_space<hbm>> -> memref<1x50x999xf32, #tpu.memory_space<hbm>>
      tpu.enqueue_dma source(%arg6 : memref<1x50x999xf32, #tpu.memory_space<vmem>>) target(%dma_start3A_252 : memref<1x50x999xf32, #tpu.memory_space<hbm>>) target_semaphore(%arg8 : memref<!tpu.dma_semaphore, #tpu.memory_space<semaphore_mem>>)
      %scan3A_253 = arith.constant 0 : i32
      scf.yield %scan3A_253 : i32
    }
    %scan3A_18 = arith.constant 16 : i32
    %add3A_19 = arith.constant 32 : i32
    %add3A_20 = arith.addi %mul3A_2, %add3A_19 : i32
    %sub3A = arith.constant 2 : i32
    %sub3A_21 = arith.subi %add3A_20, %sub3A : i32
    %dma_wait3A = arith.constant 0 : i32
    %dma_wait3A_22 = arith.constant 0 : i32
    %dma_wait3A_23 = tpu.memref_slice %arg3[%sub3A_21, %dma_wait3A, %dma_wait3A_22] : memref<1024x50x999xf32, #tpu.memory_space<hbm>> -> memref<1x50x999xf32, #tpu.memory_space<hbm>>
    %dma_wait3A_24 = arith.constant 0 : i32
    %dma_wait3A_25 = arith.constant 0 : i32
    %dma_wait3A_26 = tpu.memref_slice %arg3[%sub3A_21, %dma_wait3A_24, %dma_wait3A_25] : memref<1024x50x999xf32, #tpu.memory_space<hbm>> -> memref<1x50x999xf32, #tpu.memory_space<hbm>>
    tpu.wait_dma2 semaphore(%arg7 : memref<!tpu.dma_semaphore, #tpu.memory_space<semaphore_mem>>) src(%arg5 : memref<1x50x999xf32, #tpu.memory_space<vmem>>) dst(%dma_wait3A_26 : memref<1x50x999xf32, #tpu.memory_space<hbm>>)
    %add3A_27 = arith.constant 32 : i32
    %add3A_28 = arith.addi %mul3A_2, %add3A_27 : i32
    %sub3A_29 = arith.constant 1 : i32
    %sub3A_30 = arith.subi %add3A_28, %sub3A_29 : i32
    %dma_wait3A_31 = arith.constant 0 : i32
    %dma_wait3A_32 = arith.constant 0 : i32
    %dma_wait3A_33 = tpu.memref_slice %arg3[%sub3A_30, %dma_wait3A_31, %dma_wait3A_32] : memref<1024x50x999xf32, #tpu.memory_space<hbm>> -> memref<1x50x999xf32, #tpu.memory_space<hbm>>
    %dma_wait3A_34 = arith.constant 0 : i32
    %dma_wait3A_35 = arith.constant 0 : i32
    %dma_wait3A_36 = tpu.memref_slice %arg3[%sub3A_30, %dma_wait3A_34, %dma_wait3A_35] : memref<1024x50x999xf32, #tpu.memory_space<hbm>> -> memref<1x50x999xf32, #tpu.memory_space<hbm>>
    tpu.wait_dma2 semaphore(%arg8 : memref<!tpu.dma_semaphore, #tpu.memory_space<semaphore_mem>>) src(%arg6 : memref<1x50x999xf32, #tpu.memory_space<vmem>>) dst(%dma_wait3A_36 : memref<1x50x999xf32, #tpu.memory_space<hbm>>)
    return
  }
}

</mosaic_0001>

<sc_bundles>
// kernel: kernel.3.cloned.1.call-start
scs
__scs_entry_jumppad:
0x0: {  	(pc) =	sbr.rel $0x88, $3  }
0x1: {  	(tag) =	ssettag $0x0;
	lr =	simm.s32 $0x1  }
0x2: {  	[smem:$0x3FA0] =	sst lr;
	_ =	strace $0xD0000000  }
0x3: {  	_ = 	snop  }
0x4: {  	_ = 	snop  }
0x5: {  	_ = 	snop  }
0x6: {  	_ = 	snop  }
0x7: {  	_ = 	snop  }
__scs_overlays_trampoline_lowered:
0x8: {  	[smem:$0x3FAF] =	sst s0  }
0x9: {  	[smem:$0x3FB0] =	sst s1  }
0xa: {  	[smem:$0x3FB1] =	sst s2  }
0xb: {  	[smem:$0x3FB2] =	sst s3  }
0xc: {  	[smem:$0x3FB3] =	sst s4  }
0xd: {  	[smem:$0x3FB4] =	sst s5  }
0xe: {  	[smem:$0x3FB5] =	sst s6  }
0xf: {  	[smem:$0x3FB6] =	sst s7  }
0x10: {  	[smem:$0x3FB7] =	sst s8  }
0x11: {  	[smem:$0x3FB8] =	sst s9;
	s0 =	simm.s32 @!p0 $0x0  }
0x12: {  	s1 =	sld [smem:$0x3F9E];
	s0 =	simm.s32 @p0 $0x1  }
0x13: {  	[smem:$0x3FB9] =	sst s0;
	s0 =	simm.s32 @!p1 $0x0  }
0x14: {  	s2 =	sld [smem:$0x3F9D];
	s0 =	simm.s32 @p1 $0x1  }
0x15: {  	[smem:$0x3FBA] =	sst s0;
	s0 =	simm.s32 @!p2 $0x0  }
0x16: {  	s3 =	sld [smem:$0x3FDB];
	s0 =	simm.s32 @p2 $0x1  }
0x17: {  	s4 =	simm.s32 $0x1BF5;
	[smem:$0x3FBC] =	sst s0  }
0x18: {  	s0 =	sld [smem:$0x3F9F];
	_ =	swait.ge [sflag:s4], $0x0  }
0x19: {  	s7 =	sld [smem:$0x3FA0]  }
0x1a: {  	s8 =	sadd.s32 $0xFFFFE003, lr  }
0x1b: {  	s9 =	sadd.s32 $0xFFFFFEF7, lr;
	s5 =	simm.s32 $0xFFFFFFFF;
	p2 =	slt.u32 s8, $0xFFFFF086  }
0x1c: {  	p1 =	slt.u32 s9, $0xF7A;
	s5 =	simm.s32 @!p2 $0x0  }
0x1d: {  	s5 =	simm.s32 @p1 $0x1;
	p0 =	seq.s32 s7, s2  }
0x1e: {  	s7 =	smul.u32 @!p0 $0xF7A, s2;
	p2 =	seq.s32 @!p0 s5, $0x0  }
0x1f: {  	s9 =	smul.u32 $0xF7A, s1;
	s8 =	simm.s32 @!p0 $0x1BF5;
	p2 =	por !p2, p0  }
0x20: {  	[sflag:s8] =	ssyncset.s32 @!p0 $0xFFFFF086;
	s6 =	sadd.s32 @!p0 s3, s7;
	s7 =	simm.s32 @!p0 $0x108  }
0x21: {  	s3 =	sadd.s32 s3, s9;
	s6 =	sadd.s32 @!p0 $0x88, s6;
	s7 =	simm.s32 @p2 $0x1082  }
0x22: {  	[simem:s7], [sflag:s8] =	dma.local @!p0 [hbm:s6], $0xF7A  }
0x23: {  	s9 =	sor.u32 $0xD0000000, s2;
	s6 =	simm.s32 $0x108;
	_ =	swait.ge @!p0 [sflag:s8], $0x0  }
0x24: {  	s3 =	sadd.s32 $0x88, s3;
	s6 =	simm.s32 @!p1 $0x1082;
	[sflag:s4] =	ssyncset.s32 $0xFFFFF086  }
0x25: {  	[simem:s6], [sflag:s4] =	dma.local [hbm:s3], $0xF7A  }
0x26: {  	[smem:$0x3FA0] =	sst s1;
	(tag) =	ssettag s2;
	_ =	strace s9  }
0x27: {  	s1 =	sld [smem:$0x3FB0]  }
0x28: {  	s2 =	sld [smem:$0x3FB1]  }
0x29: {  	s4 =	sld [smem:$0x3FB3]  }
0x2a: {  	p0 =	seq.s32 s5, $0x0;
	s5 =	sld [smem:$0x3FB4]  }
0x2b: {  	s6 =	sld [smem:$0x3FB5]  }
0x2c: {  	s7 =	sld [smem:$0x3FB6]  }
0x2d: {  	s3 =	simm.s32 $0x108;
	s8 =	sld [smem:$0x3FB7]  }
0x2e: {  	s3 =	simm.s32 @!p0 $0x1082;
	s9 =	sld [smem:$0x3FB8]  }
0x2f: {  	lr =	sadd.s32 s0, s3;
	s0 =	sld [smem:$0x3FAF]  }
0x30: {  	s3 =	sld [smem:$0x3FB2]  }
0x31: {  	[smem:$0x3FBB] =	sst s10  }
0x32: {  	s10 =	sld [smem:$0x3FB9];
	_ =	sdelay $0x3  }
0x33: {  	p0 =	seq.s32 s10, $0x1;
	s10 =	sld [smem:$0x3FBB];
	_ =	sdelay $0x3  }
0x34: {  	[smem:$0x3FBB] =	sst s10  }
0x35: {  	s10 =	sld [smem:$0x3FBA];
	_ =	sdelay $0x3  }
0x36: {  	p1 =	seq.s32 s10, $0x1;
	s10 =	sld [smem:$0x3FBB];
	_ =	sdelay $0x3  }
0x37: {  	[smem:$0x3FBB] =	sst s10  }
0x38: {  	s10 =	sld [smem:$0x3FBC]  }
0x39: {  	_ = 	snop;
	(pc) =	sbr.ind lr, $3  }
0x3a: {  	_ = 	snop  }
0x3b: {  	_ = 	snop  }
0x3c: {  	p2 =	seq.s32 s10, $0x1;
	s10 =	sld [smem:$0x3FBB]  }
0x3d: {  	_ =	shalt  }
0x3e: {  	_ =	shalt  }
0x3f: {  	_ =	shalt  }
0x40: {  	_ =	shalt  }
0x41: {  	_ =	shalt  }
0x42: {  	_ =	shalt  }
0x43: {  	_ =	shalt  }
0x44: {  	_ =	shalt  }
0x45: {  	_ =	shalt  }
0x46: {  	_ =	shalt  }
0x47: {  	_ =	shalt  }
0x48: {  	_ =	shalt  }
0x49: {  	_ =	shalt  }
0x4a: {  	_ =	shalt  }
0x4b: {  	_ =	shalt  }
0x4c: {  	_ =	shalt  }
0x4d: {  	_ =	shalt  }
0x4e: {  	_ =	shalt  }
0x4f: {  	_ =	shalt  }
0x50: {  	_ =	shalt  }
0x51: {  	_ =	shalt  }
0x52: {  	_ =	shalt  }
0x53: {  	_ =	shalt  }
0x54: {  	_ =	shalt  }
0x55: {  	_ =	shalt  }
0x56: {  	_ =	shalt  }
0x57: {  	_ =	shalt  }
0x58: {  	_ =	shalt  }
0x59: {  	_ =	shalt  }
0x5a: {  	_ =	shalt  }
0x5b: {  	_ =	shalt  }
0x5c: {  	_ =	shalt  }
0x5d: {  	_ =	shalt  }
0x5e: {  	_ =	shalt  }
0x5f: {  	_ =	shalt  }
0x60: {  	_ =	shalt  }
0x61: {  	_ =	shalt  }
0x62: {  	_ =	shalt  }
0x63: {  	_ =	shalt  }
0x64: {  	_ =	shalt  }
0x65: {  	_ =	shalt  }
0x66: {  	_ =	shalt  }
0x67: {  	_ =	shalt  }
0x68: {  	_ =	shalt  }
0x69: {  	_ =	shalt  }
0x6a: {  	_ =	shalt  }
0x6b: {  	_ =	shalt  }
0x6c: {  	_ =	shalt  }
0x6d: {  	_ =	shalt  }
0x6e: {  	_ =	shalt  }
0x6f: {  	_ =	shalt  }
0x70: {  	_ =	shalt  }
0x71: {  	_ =	shalt  }
0x72: {  	_ =	shalt  }
0x73: {  	_ =	shalt  }
0x74: {  	_ =	shalt  }
0x75: {  	_ =	shalt  }
0x76: {  	_ =	shalt  }
0x77: {  	_ =	shalt  }
0x78: {  	_ =	shalt  }
0x79: {  	_ =	shalt  }
0x7a: {  	_ =	shalt  }
0x7b: {  	_ =	shalt  }
0x7c: {  	_ =	shalt  }
0x7d: {  	_ =	shalt  }
0x7e: {  	_ =	shalt  }
0x7f: {  	_ =	shalt  }
0x80: {  	_ =	shalt  }
0x81: {  	_ =	shalt  }
0x82: {  	_ =	shalt  }
0x83: {  	_ =	shalt  }
0x84: {  	_ =	shalt  }
0x85: {  	_ =	shalt  }
0x86: {  	_ =	shalt  }
0x87: {  	_ =	shalt  }
.Lfunc_end0:
.L_simem_size_0:
called_computation_lowered:
.L_overlay_start_0:
0x88: {  	s2 =	sld [smem:$0x3FD9]  }
0x89: {  	s3 =	sld [smem:$0x3FFE];
	_ =	sdelay $0x1  }
0x8a: {  	s1 =	srdreg.scid  }
0x8b: {  	s0 =	sand.u32 $0x1, s1  }
0x8c: {  	s17 =	sshll.u32 s0, $0xA;
	s2 =	sadd.s32 s3, s2  }
0x8d: {  	s2 =	sadd.s32 s2, s17  }
0x8e: {  	[smem:$0x3FC7] =	sst s2  }
0x8f: {  	_ = 	snop  }
0x90: {  	s2 =	sld [smem:$0x3FD0];
	(tm) =	ssettm $0x1  }
0x91: {  	s18 =	sld [smem:$0x3FFB];
	_ =	sdelay $0x3  }
0x92: {  	_ =	strace s18  }
0x93: {  	s3 =	sld [smem:$0x3FFC];
	_ =	sdelay $0x3  }
0x94: {  	_ =	strace s3  }
0x95: {  	s3 =	sld [smem:$0x3FFD];
	_ =	sdelay $0x3  }
0x96: {  	_ =	strace s3  }
0x97: {  	_ =	strace $0x8FFFFFFF  }
0x98: {  	s19 =	sld [smem:$0x3FDB];
	_ =	sdelay $0x1  }
0x99: {  	s4 =	simm.s32 $_scs_section_size  }
0x9a: {  	s5 =	simm.s32 $_size__tile_overlayer_lowered;
	s6 =	simm.s32 $_tile_overlayer_lowered  }
0x9b: {  	s22 =	simm.s32 $0x1BFF;
	s21 =	sshll.u32 s6, $0x1;
	s3 =	sadd.s32 s4, s19  }
0x9c: {  	s7 =	simm.s32 $0x0;
	s20 =	sshll.u32 s5, $0x1;
	s5 =	sadd.s32 s21, s3  }
0x9d: {  	[timem:s7], [sflag:s22] =	dma.local [hbm:s5], s20  }
0x9e: {  	_ =	swait.ge [sflag:s22], s20  }
0x9f: {  	s4 =	ssub.s32 $0x0, s20;
	[sflag:s22] =	ssyncset.done $0x0  }
0xa0: {  	[sflag:s22] =	ssyncadd.s32 s4;
	_ =	sdelay $0x1  }
0xa1: {  	s23 =	simm.s32 $0x1B8B  }
0xa2: {  	_ =	swait.ge [sflag:s23], $0x1  }
0xa3: {  	[sflag:s23] =	ssyncset.done $0x0  }
0xa4: {  	s25 =	simm.s32 $0x1B8E;
	s24 =	sld [smem:$0x3FFE];
	[sflag:s23] =	ssyncadd.s32 $0xFFFFFFFF  }
0xa5: {  	s26 =	simm.s32 $execute0_lowered;
	[smem:$0x3FD2] =	sst s25  }
0xa6: {  	s5 =	sshll.u32 s26, $0x1;
	_ =	strace $0x80000046;
	[dreg:$0x1] =	wrdreg $0xFFFFFFFF  }
0xa7: {  	s28 =	simm.s32 $_size_execute0_lowered;
	s3 =	sadd.s32 s3, s5;
	[dreg:$0x0] =	wrdreg $0x0  }
0xa8: {  	s5 =	sshll.u32 s28, $0x1;
	[dreg:$0x2] =	wrdreg s3  }
0xa9: {  	[dreg:$0x3] =	wrdreg s5  }
0xaa: {  	[dreg:$0x4] =	wrdreg $0xC0  }
0xab: {  	_ =	task [dreg:s7], $0x5FFFF  }
0xac: {  	[dreg:$0x1] =	wrdreg $0xFFFFFFFF  }
0xad: {  	[dreg:$0x0] =	wrdreg $0x60  }
0xae: {  	[dreg:$0x2] =	wrdreg s2  }
0xaf: {  	[dreg:$0x3] =	wrdreg s24  }
0xb0: {  	[dreg:$0x4] =	wrdreg $0x9  }
0xb1: {  	_ =	task.clear_ibuf [dreg:s7], $0x5FFFF;
	_ =	strace $0x90000046  }
0xb2: {  	s29 =	simm.s32 $0x9;
	_ =	strace $0x80000048  }
0xb3: {  	_ =	swait.ge [sflag:s29], $0x1  }
0xb4: {  	[sflag:s29] =	ssyncadd.s32 $0xFFFFFFFF  }
0xb5: {  	_ =	strace $0x90000048  }
0xb6: {  	_ =	sfence  }
0xb7: {  	s30 =	sld [smem:$0x0];
	_ =	sdelay $0x2  }
0xb8: {  	s31 =	sshll.u32 s1, $0xD;
	s1 =	sshrl.u32 s1, $0x2  }
0xb9: {  	s3 =	sand.u32 $0x4000, s31;
	s1 =	sadd.s32 s1, s30  }
0xba: {  	s0 =	sor.u32 s3, s0;
	s1 =	sshll.u32 s1, $0x11  }
0xbb: {  	s0 =	sor.u32 s1, s0  }
0xbc: {  	s0 =	sadd.s32 $0x8F2B, s0  }
0xbd: {  	[sflag:s0] =	ssyncadd.remote.s32 $0x1  }
0xbe: {  	_ =	sfence.sel $0xFFFF  }
0xbf: {  	[dreg:$0x0] =	wrdreg $0xFFFFFFFF;
	(pc) =	sbr.abs _section_cstart, $3  }
0xc0: {  	[dreg:$0x1] =	wrdreg $0xFFFFFFFF  }
0xc1: {  	_ =	task.clear_ibuf [dreg:s7], $0x2FFFF;
	_ =	strace $0x9FFFFFFF  }
0xc2: {  	(tm) =	ssettm $0x7FFFFFFF  }
0xc3: {  	_ =	shalt  }
tec
execute0_lowered:
.L_overlay_start_1:
0x0: {  	(tag) =	ssettag $0x1  }
0x1: {  	v0 =	vimm.s32 $0x2380  }
0x2: {  	vm14 =	vcmask $0x300;
	vm13 =	vcmask $0x704;
	vm12 =	vcmask $0xB08  }
0x3: {  	vm11 =	vcmask $0xF0C;
	vm10 =	vcmask $0x1310;
	vm9 =	vcmask $0x1714  }
0x4: {  	vm8 =	vcmask $0x1B18;
	vm7 =	vcmask $0x1F1C;
	vm6 =	vcmask $0x2320  }
0x5: {  	vm5 =	vcmask $0x2724;
	vm4 =	vcmask $0x2B28;
	vm3 =	vcmask $0x2F2C  }
0x6: {  	vm2 =	vcmask $0x3330;
	vm0 =	vcmask $0x3734;
	vm1 =	vcmask $0x3B38  }
0x7: {  	v2 =	vimm.f32 $1.000000000e+00;
	v3 =	vimm.s32 $0x6380;
	v4 =	vimm.s32 $0xA380  }
0x8: {  	v5 =	vimm.s32 $0xE380;
	v0 =	vsel vm14, $0x0, v0;
	v3 =	vsel vm14, $0x4000, v3  }
0x9: {  	v4 =	vsel vm14, $0x8000, v4;
	v5 =	vsel vm14, $0xC000, v5;
	v0 =	vsel vm13, $0x80, v0  }
0xa: {  	v3 =	vsel vm13, $0x4080, v3;
	v4 =	vsel vm13, $0x8080, v4;
	v5 =	vsel vm13, $0xC080, v5  }
0xb: {  	v0 =	vsel vm12, $0x100, v0;
	v3 =	vsel vm12, $0x4100, v3;
	v4 =	vsel vm12, $0x8100, v4  }
0xc: {  	v5 =	vsel vm12, $0xC100, v5;
	v0 =	vsel vm11, $0x180, v0;
	v3 =	vsel vm11, $0x4180, v3  }
0xd: {  	v4 =	vsel vm11, $0x8180, v4;
	v5 =	vsel vm11, $0xC180, v5;
	v0 =	vsel vm10, $0x200, v0  }
0xe: {  	v3 =	vsel vm10, $0x4200, v3;
	v4 =	vsel vm10, $0x8200, v4;
	v5 =	vsel vm10, $0xC200, v5  }
0xf: {  	v0 =	vsel vm9, $0x280, v0;
	v3 =	vsel vm9, $0x4280, v3;
	v4 =	vsel vm9, $0x8280, v4  }
0x10: {  	v5 =	vsel vm9, $0xC280, v5;
	v0 =	vsel vm8, $0x300, v0;
	v3 =	vsel vm8, $0x4300, v3  }
0x11: {  	v4 =	vsel vm8, $0x8300, v4;
	v5 =	vsel vm8, $0xC300, v5;
	v0 =	vsel vm7, $0x380, v0  }
0x12: {  	s3 =	rddreg [dreg:$0x0];
	v3 =	vsel vm7, $0x4380, v3;
	v4 =	vsel vm7, $0x8380, v4;
	v5 =	vsel vm7, $0xC380, v5  }
0x13: {  	s4 =	rddreg [dreg:$0x1];
	v0 =	vsel vm6, $0x2000, v0;
	v3 =	vsel vm6, $0x6000, v3;
	v4 =	vsel vm6, $0xA000, v4  }
0x14: {  	s0 =	rddreg [dreg:$0x2];
	s1 =	simm.s32 $0x0;
	v5 =	vsel vm6, $0xE000, v5;
	v0 =	vsel vm5, $0x2080, v0;
	v3 =	vsel vm5, $0x6080, v3  }
0x15: {  	s2 =	stileid.u32;
	s5 =	srdreg.scid;
	s9 =	simm.s32 $0x1;
	v4 =	vsel vm5, $0xA080, v4;
	v5 =	vsel vm5, $0xE080, v5;
	v0 =	vsel vm4, $0x2100, v0  }
0x16: {  	s10 =	simm.s32 $0x2;
	s11 =	simm.s32 $0x0;
	[smem:$0x7FF] =	sst s1;
	v3 =	vsel vm4, $0x6100, v3;
	v4 =	vsel vm4, $0xA100, v4;
	v5 =	vsel vm4, $0xE100, v5  }
0x17: {  	s6 =	smul.u32 $0x70000, s2;
	s5 =	sand.u32 $0x1, s5;
	s7 =	sshll.u32 s2, $0x1;
	v0 =	vsel vm3, $0x2180, v0;
	v3 =	vsel vm3, $0x6180, v3;
	v4 =	vsel vm3, $0xA180, v4  }
0x18: {  	s8 =	ssub.s32 $0x2, s5;
	s7 =	sor.u32 s5, s7;
	s5 =	smul.u32 $0x38000, s5;
	v5 =	vsel vm3, $0xE180, v5;
	v1 =	vsel vm2, $0x2200, v0;
	v0 =	vimm.f32 $0.0e+00  }
0x19: {  	s4 =	sadd.s32 s6, s4;
	s31 =	sshrl.u32 s8, $0x1;
	s7 =	smul.u32 $0xC8, s7;
	v3 =	vsel vm2, $0x6200, v3;
	v4 =	vsel vm2, $0xA200, v4;
	v5 =	vsel vm2, $0xE200, v5  }
0x1a: {  	_ =	strace $0x80000047;
	s6 =	ssub.s32 s8, s31;
	s5 =	sadd.s32 s5, s4;
	v1 =	vsel vm0, $0x2280, v1;
	v3 =	vsel vm0, $0x6280, v3;
	v4 =	vsel vm0, $0xA280, v4  }
0x1b: {  	s8 =	simm.s32 $0xE680;
	s3 =	sadd.s32 s3, s7;
	s4 =	smax.u32 s6, $0x1;
	v5 =	vsel vm0, $0xE280, v5;
	vm0 =	vmmov $0x3;
	v1 =	vsel vm1, $0x2300, v1  }
0x1c: {  	s5 =	sadd.s32 $0x400, s5;
	s6 =	simm.s32 $0x3;
	s7 =	simm.s32 $0x680;
	v3 =	vsel vm1, $0x6300, v3;
	v4 =	vsel vm1, $0xA300, v4;
	v5 =	vsel vm1, $0xE300, v5  }
.LBB2_1:
0x1d: {  	[tilespmem:s1], [sflag:$0x3] =	stream.linear.gather [hbm4b:s3+s1], $0x640, $0x38;
	[tilespmem:$0x1C680] =	vst v63  }
0x1e: {  	_ =	swait.ge [sflag:s6], $0x640  }
0x1f: {  	s13 =	simm.s32 $0xFFFF3800;
	s14 =	simm.s32 $0x0;
	[sflag:s6] =	ssyncset.done $0x0  }
0x20: {  	s15 =	simm.s32 $0x0;
	s16 =	simm.s32 $0x0;
	[sflag:s6] =	ssyncadd.s32 $0xFFFFF9C0  }
.LBB2_2:
0x21: {  	s12 =	sadd.s32 $0xC800, s13  }
0x22: {  	s17 =	sand.u32 $0x380, s16;
	s12 =	sand.u32 $0xE000, s12  }
0x23: {  	s12 =	sor.u32 s17, s12  }
0x24: {  	[tilespmem:s12+$0x680] =	vst v0  }
0x25: {  	[tilespmem:s12+$0xE680] =	vst v0  }
0x26: {  	[tilespmem:s12+$0x690] =	vst v0  }
0x27: {  	[tilespmem:s12+$0xE690] =	vst v0  }
0x28: {  	[tilespmem:s12+$0x6A0] =	vst v0  }
0x29: {  	[tilespmem:s12+$0xE6A0] =	vst v0  }
0x2a: {  	[tilespmem:s12+$0x6B0] =	vst v0  }
0x2b: {  	[tilespmem:s12+$0xE6B0] =	vst v0  }
0x2c: {  	[tilespmem:s12+$0x6C0] =	vst v0  }
0x2d: {  	[tilespmem:s12+$0xE6C0] =	vst v0  }
0x2e: {  	[tilespmem:s12+$0x6D0] =	vst v0  }
0x2f: {  	[tilespmem:s12+$0xE6D0] =	vst v0  }
0x30: {  	[tilespmem:s12+$0x6E0] =	vst v0  }
0x31: {  	[tilespmem:s12+$0xE6E0] =	vst v0  }
0x32: {  	[tilespmem:s12+$0x6F0] =	vst v0  }
0x33: {  	[tilespmem:s12+$0xE6F0] =	vst v0  }
0x34: {  	[tilespmem:s12+$0xA80] =	vst v0  }
0x35: {  	[tilespmem:s12+$0xEA80] =	vst v0  }
0x36: {  	[tilespmem:s12+$0xA90] =	vst v0  }
0x37: {  	[tilespmem:s12+$0xEA90] =	vst v0  }
0x38: {  	[tilespmem:s12+$0xAA0] =	vst v0  }
0x39: {  	[tilespmem:s12+$0xEAA0] =	vst v0  }
0x3a: {  	[tilespmem:s12+$0xAB0] =	vst v0  }
0x3b: {  	[tilespmem:s12+$0xEAB0] =	vst v0  }
0x3c: {  	[tilespmem:s12+$0xAC0] =	vst v0  }
0x3d: {  	[tilespmem:s12+$0xEAC0] =	vst v0  }
0x3e: {  	[tilespmem:s12+$0xAD0] =	vst v0  }
0x3f: {  	[tilespmem:s12+$0xEAD0] =	vst v0  }
0x40: {  	[tilespmem:s12+$0xAE0] =	vst v0  }
0x41: {  	[tilespmem:s12+$0xEAE0] =	vst v0  }
0x42: {  	[tilespmem:s12+$0xAF0] =	vst v0  }
0x43: {  	[tilespmem:s12+$0xEAF0] =	vst v0  }
0x44: {  	[tilespmem:s12+$0xE80] =	vst v0  }
0x45: {  	[tilespmem:s12+$0xEE80] =	vst v0  }
0x46: {  	[tilespmem:s12+$0xE90] =	vst v0  }
0x47: {  	[tilespmem:s12+$0xEE90] =	vst v0  }
0x48: {  	[tilespmem:s12+$0xEA0] =	vst v0  }
0x49: {  	[tilespmem:s12+$0xEEA0] =	vst v0  }
0x4a: {  	[tilespmem:s12+$0xEB0] =	vst v0  }
0x4b: {  	[tilespmem:s12+$0xEEB0] =	vst v0  }
0x4c: {  	[tilespmem:s12+$0xEC0] =	vst v0  }
0x4d: {  	[tilespmem:s12+$0xEEC0] =	vst v0  }
0x4e: {  	[tilespmem:s12+$0xED0] =	vst v0  }
0x4f: {  	[tilespmem:s12+$0xEED0] =	vst v0  }
0x50: {  	[tilespmem:s12+$0xEE0] =	vst v0  }
0x51: {  	[tilespmem:s12+$0xEEE0] =	vst v0  }
0x52: {  	[tilespmem:s12+$0xEF0] =	vst v0  }
0x53: {  	[tilespmem:s12+$0xEEF0] =	vst v0  }
0x54: {  	[tilespmem:s12+$0x1280] =	vst v0  }
0x55: {  	[tilespmem:s12+$0xF280] =	vst v0  }
0x56: {  	[tilespmem:s12+$0x1290] =	vst v0  }
0x57: {  	[tilespmem:s12+$0xF290] =	vst v0  }
0x58: {  	[tilespmem:s12+$0x12A0] =	vst v0  }
0x59: {  	[tilespmem:s12+$0xF2A0] =	vst v0  }
0x5a: {  	[tilespmem:s12+$0x12B0] =	vst v0  }
0x5b: {  	[tilespmem:s12+$0xF2B0] =	vst v0  }
0x5c: {  	[tilespmem:s12+$0x12C0] =	vst v0  }
0x5d: {  	[tilespmem:s12+$0xF2C0] =	vst v0  }
0x5e: {  	[tilespmem:s12+$0x12D0] =	vst v0  }
0x5f: {  	[tilespmem:s12+$0xF2D0] =	vst v0  }
0x60: {  	[tilespmem:s12+$0x12E0] =	vst v0  }
0x61: {  	[tilespmem:s12+$0xF2E0] =	vst v0  }
0x62: {  	[tilespmem:s12+$0x12F0] =	vst v0  }
0x63: {  	[tilespmem:s12+$0xF2F0] =	vst v0  }
0x64: {  	[tilespmem:s12+$0x1680] =	vst v0  }
0x65: {  	[tilespmem:s12+$0xF680] =	vst v0  }
0x66: {  	[tilespmem:s12+$0x1690] =	vst v0  }
0x67: {  	[tilespmem:s12+$0xF690] =	vst v0  }
0x68: {  	[tilespmem:s12+$0x16A0] =	vst v0  }
0x69: {  	[tilespmem:s12+$0xF6A0] =	vst v0  }
0x6a: {  	[tilespmem:s12+$0x16B0] =	vst v0  }
0x6b: {  	[tilespmem:s12+$0xF6B0] =	vst v0  }
0x6c: {  	[tilespmem:s12+$0x16C0] =	vst v0  }
0x6d: {  	[tilespmem:s12+$0xF6C0] =	vst v0  }
0x6e: {  	[tilespmem:s12+$0x16D0] =	vst v0  }
0x6f: {  	[tilespmem:s12+$0xF6D0] =	vst v0  }
0x70: {  	[tilespmem:s12+$0x16E0] =	vst v0  }
0x71: {  	[tilespmem:s12+$0xF6E0] =	vst v0  }
0x72: {  	[tilespmem:s12+$0x16F0] =	vst v0  }
0x73: {  	[tilespmem:s12+$0xF6F0] =	vst v0  }
0x74: {  	[tilespmem:s12+$0x1A80] =	vst v0  }
0x75: {  	[tilespmem:s12+$0xFA80] =	vst v0  }
0x76: {  	[tilespmem:s12+$0x1A90] =	vst v0  }
0x77: {  	[tilespmem:s12+$0xFA90] =	vst v0  }
0x78: {  	[tilespmem:s12+$0x1AA0] =	vst v0  }
0x79: {  	[tilespmem:s12+$0xFAA0] =	vst v0  }
0x7a: {  	[tilespmem:s12+$0x1AB0] =	vst v0  }
0x7b: {  	[tilespmem:s12+$0xFAB0] =	vst v0  }
0x7c: {  	[tilespmem:s12+$0x1AC0] =	vst v0  }
0x7d: {  	[tilespmem:s12+$0xFAC0] =	vst v0  }
0x7e: {  	[tilespmem:s12+$0x1AD0] =	vst v0  }
0x7f: {  	[tilespmem:s12+$0xFAD0] =	vst v0  }
0x80: {  	[tilespmem:s12+$0x1AE0] =	vst v0  }
0x81: {  	[tilespmem:s12+$0xFAE0] =	vst v0  }
0x82: {  	[tilespmem:s12+$0x1AF0] =	vst v0  }
0x83: {  	[tilespmem:s12+$0xFAF0] =	vst v0  }
0x84: {  	[tilespmem:s12+$0x1E80] =	vst v0  }
0x85: {  	[tilespmem:s12+$0xFE80] =	vst v0  }
0x86: {  	[tilespmem:s12+$0x1E90] =	vst v0  }
0x87: {  	[tilespmem:s12+$0xFE90] =	vst v0  }
0x88: {  	[tilespmem:s12+$0x1EA0] =	vst v0  }
0x89: {  	[tilespmem:s12+$0xFEA0] =	vst v0  }
0x8a: {  	[tilespmem:s12+$0x1EB0] =	vst v0  }
0x8b: {  	[tilespmem:s12+$0xFEB0] =	vst v0  }
0x8c: {  	[tilespmem:s12+$0x1EC0] =	vst v0  }
0x8d: {  	[tilespmem:s12+$0xFEC0] =	vst v0  }
0x8e: {  	[tilespmem:s12+$0x1ED0] =	vst v0  }
0x8f: {  	[tilespmem:s12+$0xFED0] =	vst v0  }
0x90: {  	s23 =	sand.u32 $0x7, s14;
	[tilespmem:s12+$0x1EE0] =	vst v0  }
0x91: {  	s17 =	sshll.u32 s23, $0x7;
	[tilespmem:s12+$0xFEE0] =	vst v0  }
0x92: {  	s17 =	sadd.s32 s17, s15;
	[tilespmem:s12+$0x1EF0] =	vst v0  }
0x93: {  	[tilespmem:s12+$0xFEF0] =	vst v0;
	s24 =	sor.u32 $0x1C00, s17  }
0x94: {  	[tilespmem:s24+$0x680] =	vst v0  }
0x95: {  	s25 =	sor.u32 $0x1C10, s17;
	[tilespmem:s24+$0xE680] =	vst v0  }
0x96: {  	[tilespmem:s25+$0x680] =	vst v0  }
0x97: {  	s26 =	sor.u32 $0x1C20, s17;
	[tilespmem:s25+$0xE680] =	vst v0  }
0x98: {  	[tilespmem:s26+$0x680] =	vst v0  }
0x99: {  	s28 =	sor.u32 $0x1C30, s17;
	[tilespmem:s26+$0xE680] =	vst v0  }
0x9a: {  	[tilespmem:s28+$0x680] =	vst v0  }
0x9b: {  	s29 =	sor.u32 $0x1C40, s17;
	[tilespmem:s28+$0xE680] =	vst v0  }
0x9c: {  	p0 =	sne.s32 s16, $0x1880;
	[tilespmem:s29+$0x680] =	vst v0  }
.Ltmp0:
0x9d: {  	s30 =	sor.u32 $0x1C50, s17;
	[tilespmem:s29+$0xE680] =	vst v0;
	(pc) =	sbr.rel @p0 .LBB2_2-.Ltmp0, $4  }
0x9e: {  	[tilespmem:s30+$0x680] =	vst v0  }
0x9f: {  	s31 =	sor.u32 $0x1C57, s17;
	[tilespmem:s30+$0xE680] =	vst v0  }
0xa0: {  	s14 =	sadd.s32 $0x1, s14;
	s13 =	sadd.s32 $0x400, s13;
	[tilespmem:s31+$0x680] =	vst v0  }
0xa1: {  	s16 =	sadd.s32 $0x80, s16;
	s15 =	sadd.s32 $0x400, s15;
	s12 =	simm.s32 $0x0;
	[tilespmem:s31+$0xE680] =	vst v0  }
0xa2: {  	s13 =	smov.u32 s5  }
.LBB2_4:
0xa3: {  	p0 =	seq.s32 s12, $0x0  }
0xa4: {  	_ =	swait.ge @!p0 [sflag:s9], $0xE000  }
0xa5: {  	s14 =	simm.s32 $0x0;
	[sflag:s9] =	ssyncset.done @!p0 $0x0  }
0xa6: {  	s14 =	sshra.s32 @!p0 s12, $0x2;
	[sflag:s9] =	ssyncadd.s32 @!p0 $0xFFFF2000  }
0xa7: {  	v6 =	vld @!p0 [tilespmem:s14+$0xFFFFFF9C];
	_ =	sdelay $0x4  }
0xa8: {  	v7 =	vadd.s32 @!p0 $0xFFFFFFFF, v6  }
0xa9: {  	v8 =	vshll.u32 @!p0 v7, $0x3  }
0xaa: {  	v7 =	vand.u32 @!p0 $0x7F, v7;
	v8 =	vand.u32 @!p0 $0xFFFFFC00, v8  }
0xab: {  	vm1 =	vgt.s32 @!p0 v6, $0x0;
	v6 =	vor.u32 @!p0 v7, v8  }
0xac: {  	v6 =	vadd.s32 @!p0 v1, v6;
	_ =	sdelay $0x4  }
0xad: {  	[tilespmem:v6+s7+$0x0] =	vst.idx.msk @!p0 vm1, v0  }
0xae: {  	v6 =	vld @!p0 [tilespmem:s14+$0xFFFFFFAC];
	_ =	sdelay $0x4  }
0xaf: {  	v7 =	vadd.s32 @!p0 $0xFFFFFFFF, v6  }
0xb0: {  	v8 =	vshll.u32 @!p0 v7, $0x3  }
0xb1: {  	v7 =	vand.u32 @!p0 $0x7F, v7;
	v8 =	vand.u32 @!p0 $0xFFFFFC00, v8  }
0xb2: {  	vm1 =	vgt.s32 @!p0 v6, $0x0;
	v6 =	vor.u32 @!p0 v7, v8  }
0xb3: {  	v6 =	vadd.s32 @!p0 v3, v6;
	_ =	sdelay $0x4  }
0xb4: {  	[tilespmem:v6+s7+$0x0] =	vst.idx.msk @!p0 vm1, v0  }
0xb5: {  	v6 =	vld @!p0 [tilespmem:s14+$0xFFFFFFBC];
	_ =	sdelay $0x4  }
0xb6: {  	v7 =	vadd.s32 @!p0 $0xFFFFFFFF, v6  }
0xb7: {  	v8 =	vshll.u32 @!p0 v7, $0x3  }
0xb8: {  	v7 =	vand.u32 @!p0 $0x7F, v7;
	v8 =	vand.u32 @!p0 $0xFFFFFC00, v8  }
0xb9: {  	vm1 =	vgt.s32 @!p0 v6, $0x0;
	v6 =	vor.u32 @!p0 v7, v8  }
0xba: {  	v6 =	vadd.s32 @!p0 v4, v6;
	_ =	sdelay $0x4  }
0xbb: {  	[tilespmem:v6+s7+$0x0] =	vst.idx.msk @!p0 vm1, v0  }
0xbc: {  	v6 =	vld @!p0 [tilespmem:s14+$0xFFFFFFCC];
	_ =	sdelay $0x4  }
0xbd: {  	v7 =	vadd.s32 @!p0 $0xFFFFFFFF, v6  }
0xbe: {  	v8 =	vshll.u32 @!p0 v7, $0x3  }
0xbf: {  	vm1 =	vgt.s32 @!p0 v6, $0x0;
	v6 =	vand.u32 @!p0 $0x7F, v7;
	v7 =	vand.u32 @!p0 $0xFFFFFC00, v8  }
0xc0: {  	vm1 =	vmand @!p0 vm1, vm0;
	v6 =	vor.u32 @!p0 v6, v7  }
0xc1: {  	v6 =	vadd.s32 @!p0 v5, v6;
	_ =	sdelay $0x3  }
0xc2: {  	s14 =	smov.u32 @!p0 s12  }
0xc3: {  	s14 =	sshra.s32 s14, $0x2;
	[tilespmem:v6+s7+$0x0] =	vst.idx.msk @!p0 vm1, v0  }
0xc4: {  	v6 =	vld [tilespmem:s14+$0x0];
	_ =	sdelay $0x4  }
0xc5: {  	v7 =	vadd.s32 $0xFFFFFFFF, v6  }
0xc6: {  	v56 =	vshll.u32 v7, $0x3  }
0xc7: {  	v7 =	vand.u32 $0x7F, v7;
	v8 =	vand.u32 $0xFFFFFC00, v56  }
0xc8: {  	vm1 =	vgt.s32 v6, $0x0;
	v6 =	vor.u32 v7, v8  }
0xc9: {  	v6 =	vadd.s32 v1, v6;
	_ =	sdelay $0x4  }
0xca: {  	[tilespmem:v6+s7+$0x0] =	vst.idx.msk vm1, v2  }
0xcb: {  	v6 =	vld [tilespmem:s14+$0x10];
	_ =	sdelay $0x4  }
0xcc: {  	v7 =	vadd.s32 $0xFFFFFFFF, v6  }
0xcd: {  	v57 =	vshll.u32 v7, $0x3  }
0xce: {  	v7 =	vand.u32 $0x7F, v7;
	v8 =	vand.u32 $0xFFFFFC00, v57  }
0xcf: {  	vm1 =	vgt.s32 v6, $0x0;
	v6 =	vor.u32 v7, v8  }
0xd0: {  	v6 =	vadd.s32 v3, v6;
	_ =	sdelay $0x4  }
0xd1: {  	[tilespmem:v6+s7+$0x0] =	vst.idx.msk vm1, v2  }
0xd2: {  	v6 =	vld [tilespmem:s14+$0x20];
	_ =	sdelay $0x4  }
0xd3: {  	v7 =	vadd.s32 $0xFFFFFFFF, v6  }
0xd4: {  	v58 =	vshll.u32 v7, $0x3  }
0xd5: {  	v7 =	vand.u32 $0x7F, v7;
	v8 =	vand.u32 $0xFFFFFC00, v58  }
0xd6: {  	vm1 =	vgt.s32 v6, $0x0;
	v6 =	vor.u32 v7, v8  }
0xd7: {  	v6 =	vadd.s32 v4, v6;
	_ =	sdelay $0x4  }
0xd8: {  	[tilespmem:v6+s7+$0x0] =	vst.idx.msk vm1, v2  }
0xd9: {  	v6 =	vld [tilespmem:s14+$0x30];
	_ =	sdelay $0x4  }
0xda: {  	v7 =	vadd.s32 $0xFFFFFFFF, v6  }
0xdb: {  	v59 =	vshll.u32 v7, $0x3  }
0xdc: {  	vm1 =	vgt.s32 v6, $0x0;
	v6 =	vand.u32 $0x7F, v7;
	v7 =	vand.u32 $0xFFFFFC00, v59  }
0xdd: {  	vm1 =	vmand vm1, vm0;
	v6 =	vor.u32 v6, v7  }
0xde: {  	v6 =	vadd.s32 v5, v6;
	_ =	sdelay $0x4  }
0xdf: {  	[tilespmem:v6+s7+$0x0] =	vst.idx.msk vm1, v2  }
0xe0: {  	[hbm4b:s13+s1] =	stream.linear.scatter [tilespmem:s7], [sflag:$0x1], $0xE000, $0x38;
	[tilespmem:$0x1C680] =	vst v63  }
0xe1: {  	_ =	swait.ge @!p0 [sflag:s10], $0xE000  }
0xe2: {  	[sflag:s10] =	ssyncset.done @!p0 $0x0  }
0xe3: {  	[sflag:s10] =	ssyncadd.s32 @!p0 $0xFFFF2000  }
0xe4: {  	v6 =	vld @!p0 [tilespmem:s14+$0xFFFFFFCE];
	_ =	sdelay $0x4  }
0xe5: {  	v7 =	vadd.s32 @!p0 $0xFFFFFFFF, v6  }
0xe6: {  	v8 =	vshll.u32 @!p0 v7, $0x3  }
0xe7: {  	v7 =	vand.u32 @!p0 $0x7F, v7;
	v8 =	vand.u32 @!p0 $0xFFFFFC00, v8  }
0xe8: {  	vm1 =	vgt.s32 @!p0 v6, $0x0;
	v6 =	vor.u32 @!p0 v7, v8  }
0xe9: {  	v6 =	vadd.s32 @!p0 v1, v6;
	_ =	sdelay $0x4  }
0xea: {  	[tilespmem:v6+s8+$0x0] =	vst.idx.msk @!p0 vm1, v0  }
0xeb: {  	v6 =	vld @!p0 [tilespmem:s14+$0xFFFFFFDE];
	_ =	sdelay $0x4  }
0xec: {  	v7 =	vadd.s32 @!p0 $0xFFFFFFFF, v6  }
0xed: {  	v8 =	vshll.u32 @!p0 v7, $0x3  }
0xee: {  	v7 =	vand.u32 @!p0 $0x7F, v7;
	v8 =	vand.u32 @!p0 $0xFFFFFC00, v8  }
0xef: {  	vm1 =	vgt.s32 @!p0 v6, $0x0;
	v6 =	vor.u32 @!p0 v7, v8  }
0xf0: {  	v6 =	vadd.s32 @!p0 v3, v6;
	_ =	sdelay $0x4  }
0xf1: {  	[tilespmem:v6+s8+$0x0] =	vst.idx.msk @!p0 vm1, v0  }
0xf2: {  	v6 =	vld @!p0 [tilespmem:s14+$0xFFFFFFEE];
	_ =	sdelay $0x4  }
0xf3: {  	v7 =	vadd.s32 @!p0 $0xFFFFFFFF, v6  }
0xf4: {  	v8 =	vshll.u32 @!p0 v7, $0x3  }
0xf5: {  	v7 =	vand.u32 @!p0 $0x7F, v7;
	v8 =	vand.u32 @!p0 $0xFFFFFC00, v8  }
0xf6: {  	vm1 =	vgt.s32 @!p0 v6, $0x0;
	v6 =	vor.u32 @!p0 v7, v8  }
0xf7: {  	v6 =	vadd.s32 @!p0 v4, v6;
	_ =	sdelay $0x4  }
0xf8: {  	[tilespmem:v6+s8+$0x0] =	vst.idx.msk @!p0 vm1, v0  }
0xf9: {  	v6 =	vld @!p0 [tilespmem:s14+$0xFFFFFFFE];
	_ =	sdelay $0x4  }
0xfa: {  	v7 =	vadd.s32 @!p0 $0xFFFFFFFF, v6  }
0xfb: {  	v8 =	vshll.u32 @!p0 v7, $0x3  }
0xfc: {  	vm1 =	vgt.s32 @!p0 v6, $0x0;
	v6 =	vand.u32 @!p0 $0x7F, v7;
	v7 =	vand.u32 @!p0 $0xFFFFFC00, v8  }
0xfd: {  	vm1 =	vmand @!p0 vm1, vm0;
	v6 =	vor.u32 @!p0 v6, v7  }
0xfe: {  	v6 =	vadd.s32 @!p0 v5, v6;
	_ =	sdelay $0x4  }
0xff: {  	s30 =	sshra.s32 s12, $0x2;
	[tilespmem:v6+s8+$0x0] =	vst.idx.msk @!p0 vm1, v0  }
0x100: {  	v6 =	vld [tilespmem:s30+$0x32];
	_ =	sdelay $0x4  }
0x101: {  	v7 =	vadd.s32 $0xFFFFFFFF, v6  }
0x102: {  	v60 =	vshll.u32 v7, $0x3  }
0x103: {  	v7 =	vand.u32 $0x7F, v7;
	v8 =	vand.u32 $0xFFFFFC00, v60  }
0x104: {  	vm1 =	vgt.s32 v6, $0x0;
	v6 =	vor.u32 v7, v8  }
0x105: {  	v6 =	vadd.s32 v1, v6;
	_ =	sdelay $0x4  }
0x106: {  	[tilespmem:v6+s8+$0x0] =	vst.idx.msk vm1, v2  }
0x107: {  	v6 =	vld [tilespmem:s30+$0x42];
	_ =	sdelay $0x4  }
0x108: {  	v7 =	vadd.s32 $0xFFFFFFFF, v6  }
0x109: {  	v61 =	vshll.u32 v7, $0x3  }
0x10a: {  	v7 =	vand.u32 $0x7F, v7;
	v8 =	vand.u32 $0xFFFFFC00, v61  }
0x10b: {  	vm1 =	vgt.s32 v6, $0x0;
	v6 =	vor.u32 v7, v8  }
0x10c: {  	v6 =	vadd.s32 v3, v6;
	_ =	sdelay $0x4  }
0x10d: {  	[tilespmem:v6+s8+$0x0] =	vst.idx.msk vm1, v2  }
0x10e: {  	v6 =	vld [tilespmem:s30+$0x52];
	_ =	sdelay $0x4  }
0x10f: {  	v7 =	vadd.s32 $0xFFFFFFFF, v6  }
0x110: {  	v62 =	vshll.u32 v7, $0x3  }
0x111: {  	v7 =	vand.u32 $0x7F, v7;
	v8 =	vand.u32 $0xFFFFFC00, v62  }
0x112: {  	vm1 =	vgt.s32 v6, $0x0;
	v6 =	vor.u32 v7, v8  }
0x113: {  	v6 =	vadd.s32 v4, v6;
	_ =	sdelay $0x4  }
0x114: {  	[tilespmem:v6+s8+$0x0] =	vst.idx.msk vm1, v2  }
0x115: {  	v6 =	vld [tilespmem:s30+$0x62];
	_ =	sdelay $0x4  }
0x116: {  	v7 =	vadd.s32 $0xFFFFFFFF, v6  }
0x117: {  	v63 =	vshll.u32 v7, $0x3  }
0x118: {  	vm1 =	vgt.s32 v6, $0x0;
	v6 =	vand.u32 $0x7F, v7;
	v7 =	vand.u32 $0xFFFFFC00, v63  }
0x119: {  	vm1 =	vmand vm1, vm0;
	v6 =	vor.u32 v6, v7  }
0x11a: {  	s12 =	sadd.s32 $0x190, s12;
	v6 =	vadd.s32 v5, v6  }
0x11b: {  	p0 =	sne.s32 s12, $0x1900  }
.Ltmp1:
0x11c: {  	_ = 	snop;
	(pc) =	sbr.rel @p0 .LBB2_4-.Ltmp1, $3  }
0x11d: {  	_ =	sdelay $0x1  }
0x11e: {  	s31 =	sadd.s32 $0x1C00, s13;
	s13 =	sadd.s32 $0x3800, s13;
	[tilespmem:v6+s8+$0x0] =	vst.idx.msk vm1, v2  }
0x11f: {  	[hbm4b:s31+s1] =	stream.linear.scatter [tilespmem:s8], [sflag:$0x2], $0xE000, $0x38;
	[tilespmem:$0x1C680] =	vst v63  }
0x120: {  	s11 =	sadd.s32 $0x1, s11  }
0x121: {  	_ =	swait.ge [sflag:s9], $0xE000;
	p0 =	sne.s32 s11, s4  }
.Ltmp2:
0x122: {  	[sflag:s9] =	ssyncset.done $0x0;
	(pc) =	sbr.rel @p0 .LBB2_1-.Ltmp2, $4  }
0x123: {  	[sflag:s9] =	ssyncadd.s32 $0xFFFF2000  }
0x124: {  	_ =	swait.ge [sflag:s10], $0xE000  }
0x125: {  	[sflag:s10] =	ssyncset.done $0x0  }
0x126: {  	[sflag:s10] =	ssyncadd.s32 $0xFFFF2000  }
0x127: {  	_ =	sfence.sel $0x180000  }
0x128: {  	[bflag:$0x0] =	sbarrier.arrive $0xFFFF  }
0x129: {  	p0 =	sne.s32 s2, $0x0;
	_ =	strace $0x90000047  }
0x12a: {  	s0 =	sadd.s32 @!p0 $0x100000, s0;
	[bflag:$0x2] =	sbarrier.arrive $0xFFFF  }
0x12b: {  	[sflag:s0] =	ssyncadd.tile.s32 @!p0 $0x1;
	_ =	shalt  }
.Lfunc_end2:
_tile_overlayer_lowered:
.L_overlay_start_2:
0x12c: {  	(tag) =	ssettag $0x2  }
0x12d: {  	s0 =	rddreg [dreg:$0x0];
	s2 =	stileid.u32  }
0x12e: {  	s1 =	rddreg [dreg:$0x1];
	p0 =	sne.s32 s2, $0x0  }
0x12f: {  	s3 =	rddreg [dreg:$0x2];
	[bflag:$0x3] =	sbarrier.arrive $0xFFFF;
	s2 =	simm.s32 @!p0 $0x1C03  }
0x130: {  	[timem:s3], [sflag:s2] =	dma.local @!p0 [hbm:s0], s1  }
0x131: {  	s0 =	simm.s32 @!p0 $0x3  }
0x132: {  	_ =	swait.ge @!p0 [sflag:s0], s1  }
0x133: {  	s1 =	ssub.s32 @!p0 $0x0, s1;
	[sflag:s0] =	ssyncset.done @!p0 $0x0  }
0x134: {  	[sflag:s0] =	ssyncadd.s32 @!p0 s1  }
0x135: {  	[bflag:$0x3] =	sbarrier.arrive $0xFFFF  }
0x136: {  	_ =	shalt  }

</sc_bundles>
